<compile_context>
chip_gen: v7x
topology: tpu7x:2x2x1
jax: 0.10.2.dev20260603
libtpu: 0.0.44.dev20260713+nightly
codegen_flags: <defaults>
</compile_context>

<pallas_src>
import functools

import jax
import jax.numpy as jnp
from jax import lax
from jax.experimental import pallas as pl
from jax.experimental.pallas import tpu as pltpu
from jax.experimental.pallas import tpu_sc as plsc

N = 10000
E = 320000
D = 128
G = 16

NC, NS = 2, 16
NW = NC * NS
C = 80
BLK = 8
NBLOCK = E // (BLK * C)
NBLK = -(-NBLOCK // NW)
RPT = 624
TAIL0 = NS * RPT
TAIL = N - TAIL0


_MESH = plsc.VectorSubcoreMesh(core_axis_name="c", subcore_axis_name="s")


@functools.partial(
    pl.kernel,
    out_type=[
        jax.ShapeDtypeStruct((NC, N, D), jnp.float32),
        jax.ShapeDtypeStruct((NW, 1, N), jnp.float32),
    ],
    mesh=_MESH,
    compiler_params=pltpu.CompilerParams(needs_layout_passes=False),
    scratch_types=[
        pltpu.VMEM((BLK, C), jnp.int32),
        pltpu.VMEM((BLK, C), jnp.int32),
        pltpu.VMEM((BLK, C), jnp.int32),
        pltpu.VMEM((BLK, C), jnp.int32),
        pltpu.VMEM((C, D), jnp.float32),
        pltpu.VMEM((C, D), jnp.float32),
        pltpu.VMEM((N,), jnp.float32),
        pltpu.VMEM_SHARED((N, D), jnp.float32),
        pltpu.SemaphoreType.DMA,
        pltpu.SemaphoreType.DMA,
        pltpu.SemaphoreType.DMA,
        pltpu.SemaphoreType.DMA,
    ],
)
def _sc_aggregate(x_hbm, edges_hbm,
                  agg_out, deg_out, src_a, dst_a, src_b, dst_b,
                  rows0_v, rows1_v, deg_v, acc, sem0, sem1, isem_a, isem_b):
    cid = lax.axis_index("c")
    sid = lax.axis_index("s")
    wid = cid * NS + sid
    row0 = sid * RPT

    zeros16 = jnp.zeros((16,), jnp.float32)

    def zero_rows(i, carry):
        for k in range(D // 16):
            rows0_v[i, pl.ds(k * 16, 16)] = zeros16
        return carry

    lax.fori_loop(0, C, zero_rows, 0)

    def zero_deg(i, carry):
        deg_v[pl.ds(i * 16, 16)] = zeros16
        return carry

    lax.fori_loop(0, N // 16, zero_deg, 0)

    for q in range(RPT // C):
        pltpu.sync_copy(rows0_v, acc.at[pl.ds(row0 + q * C, C)])
    pltpu.sync_copy(rows0_v.at[pl.ds(0, RPT - (RPT // C) * C)],
                    acc.at[pl.ds(row0 + (RPT // C) * C, RPT - (RPT // C) * C)])

    @pl.when(sid == 0)
    def _zero_tail():
        pltpu.sync_copy(rows0_v.at[pl.ds(0, TAIL)], acc.at[pl.ds(TAIL0, TAIL)])

    ones = jnp.ones((16,), jnp.float32)

    rows = (rows0_v, rows1_v)
    sems = (sem0, sem1)
    half = NBLOCK // NC
    xtra = half - NS * (NBLK - 1)
    blk0 = cid * half + sid * (NBLK - 1) + jnp.minimum(sid, xtra)
    blk_end = blk0 + (NBLK - 1) + (sid < xtra).astype(jnp.int32)

    def stage_idx(gb, sbuf, dbuf, isem):
        gbc = jnp.minimum(gb, NBLOCK - 1)
        pltpu.async_copy(edges_hbm.at[0, gbc], sbuf, isem)
        pltpu.async_copy(edges_hbm.at[1, gbc], dbuf, isem)

    def wait_idx(sbuf, dbuf, isem):
        pltpu.make_async_copy(edges_hbm.at[0, 0], sbuf, isem).wait()
        pltpu.make_async_copy(edges_hbm.at[0, 0], dbuf, isem).wait()

    stage_idx(blk0, src_a, dst_a, isem_a)

    plsc.subcore_barrier()

    def process(gb, sbuf, dbuf):
        @pl.when(gb < blk_end)
        def _work():
            copies = [pltpu.async_copy(x_hbm.at[sbuf.at[0]], rows[0], sems[0])]
            for j in range(BLK):
                copies[j].wait()
                if j + 1 < BLK:
                    copies.append(pltpu.async_copy(
                        x_hbm.at[sbuf.at[j + 1]], rows[(j + 1) % 2],
                        sems[(j + 1) % 2]))
                pltpu.sync_copy(rows[j % 2], acc.at[dbuf.at[j]], add=True)
                for k in range(C // 16):
                    idx = dbuf[j, pl.ds(k * 16, 16)]
                    plsc.addupdate_scatter(deg_v, [idx], ones)

    def pair(p, carry):
        b0 = blk0 + 2 * p
        wait_idx(src_a, dst_a, isem_a)
        stage_idx(b0 + 1, src_b, dst_b, isem_b)
        process(b0, src_a, dst_a)
        wait_idx(src_b, dst_b, isem_b)

        @pl.when(p < NBLK // 2 - 1)
        def _prefetch_next():
            stage_idx(b0 + 2, src_a, dst_a, isem_a)

        process(b0 + 1, src_b, dst_b)
        return carry

    lax.fori_loop(0, NBLK // 2, pair, 0)

    pltpu.sync_copy(deg_v, deg_out.at[wid, 0])

    plsc.subcore_barrier()

    pltpu.sync_copy(acc.at[pl.ds(row0, RPT)], agg_out.at[cid, pl.ds(row0, RPT)])

    @pl.when(sid == 0)
    def _copy_tail():
        pltpu.sync_copy(acc.at[pl.ds(TAIL0, TAIL)],
                        agg_out.at[cid, pl.ds(TAIL0, TAIL)])


def _tc_body(aggp_ref, degp_ref, x_ref, wl_ref, bl_ref, wr_ref,
             batch_ref, out_ref):
    agg = aggp_ref[0] + aggp_ref[1]
    deg = lax.dot_general(degp_ref[...], jnp.ones((NW, 1), jnp.float32),
                          (((0,), (0,)), ((), ())),
                          preferred_element_type=jnp.float32)
    mean_agg = agg / jnp.maximum(deg, 1.0)
    bf = jnp.bfloat16
    h = lax.dot_general(mean_agg.astype(bf), wl_ref[...].astype(bf),
                        (((1,), (1,)), ((), ())),
                        preferred_element_type=jnp.float32)
    h += lax.dot_general(x_ref[...].astype(bf), wr_ref[...].astype(bf),
                         (((1,), (1,)), ((), ())),
                         preferred_element_type=jnp.float32)
    h = jnp.tanh(h + bl_ref[...])
    onehot = (batch_ref[...] ==
              lax.broadcasted_iota(jnp.int32, (N, G), 1)).astype(bf)
    pooled = lax.dot_general(onehot, h.astype(bf), (((0,), (0,)), ((), ())),
                             preferred_element_type=jnp.float32)
    counts = lax.dot_general(onehot, jnp.ones((N, 1), bf),
                             (((0,), (0,)), ((), ())),
                             preferred_element_type=jnp.float32)
    out_ref[...] = pooled / jnp.maximum(counts, 1.0)


_tc_post = pl.pallas_call(
    _tc_body,
    out_shape=jax.ShapeDtypeStruct((G, D), jnp.float32),
)


def kernel(x, edge_index, batch, W_l, b_l, W_r):
    edges = edge_index.reshape(2, NBLOCK, BLK, C)
    agg_parts, deg_parts = _sc_aggregate(x, edges)
    return _tc_post(agg_parts, deg_parts.reshape(NW, N), x,
                    W_l, b_l.reshape(1, D), W_r, batch.reshape(N, 1))

# --- scband reference (transcript-rebuilt; emitter-appended) ---
"""Pipeline reference for scband-sageembedder-4398046511358 (READ-ONLY COPY).

The authoritative reference and input builder live on the scoring server;
editing this copy changes nothing except your own understanding.
"""

import jax, jax.numpy as jnp
import numpy as np

N_NODES = 10000
N_EDGES = 320000
D_IN = 128
D_OUT = 128
N_GRAPHS = 16


def setup_inputs(seed: int = 0) -> dict:
    key = jax.random.key(seed)
    k1, k2, k3, k4, k5 = jax.random.split(key, 5)
    x = jax.random.normal(k1, (N_NODES, D_IN), dtype=jnp.float32)
    edge_index = jax.random.randint(k2, (2, N_EDGES), 0, N_NODES, dtype=jnp.int32)
    batch = jnp.sort(jax.random.randint(k3, (N_NODES,), 0, N_GRAPHS, dtype=jnp.int32))
    # SAGEConv parameters: lin_l (applied to mean-aggregated neighbors, with bias)
    # and lin_r (applied to root/self features, no bias), PyG convention.
    W_l = jax.random.normal(k4, (D_OUT, D_IN), dtype=jnp.float32) * 0.05
    b_l = jnp.zeros((D_OUT,), dtype=jnp.float32)
    W_r = jax.random.normal(k5, (D_OUT, D_IN), dtype=jnp.float32) * 0.05
    return {"x": x, "edge_index": edge_index, "batch": batch, "W_l": W_l, "b_l": b_l, "W_r": W_r}


def reference(x, edge_index, batch, W_l, b_l, W_r):
    # Core of SAGEEmbedder.forward with num_message_layers=1, hops=1,
    # dropout=0 (eval), norm='none', node_pooling='none', pooling='mean':
    #   x = SAGEConv(x, edge_index); x = tanh(x); x = global_mean_pool(x, batch)
    src = edge_index[0]
    dst = edge_index[1]
    # message passing: gather source features, mean-aggregate at destination
    msgs = x[src]
    agg = jax.ops.segment_sum(msgs, dst, num_segments=N_NODES)
    deg = jax.ops.segment_sum(jnp.ones((N_EDGES,), dtype=jnp.float32), dst, num_segments=N_NODES)
    mean_agg = agg / jnp.clip(deg, 1.0)[:, None]
    h = mean_agg @ W_l.T + b_l + x @ W_r.T
    h = jnp.tanh(h)
    # global mean pool per graph
    counts = jax.ops.segment_sum(jnp.ones((N_NODES,), dtype=jnp.float32), batch, num_segments=N_GRAPHS)
    pooled = jax.ops.segment_sum(h, batch, num_segments=N_GRAPHS) / jnp.clip(counts, 1.0)[:, None]
    return pooled

if __name__ == "__main__":
    import jax
    _d = setup_inputs()
    print(jax.jit(kernel)(*tuple(_d.values())))

</pallas_src>

<mosaic_0001>
#map = affine_map<(d0, d1) -> (0, 0)>
#map1 = affine_map<(d0, d1) -> (0, 0, 0, 0)>
#map2 = affine_map<(d0, d1) -> (0, 0, 0)>
module attributes {stable_mosaic.version = 14 : i64} {
  func.func @_sc_aggregate(%arg0: i32, %arg1: i32, %arg2: memref<10000x128xf32, #tpu.memory_space<hbm>>, %arg3: memref<2x500x8x80xi32, #tpu.memory_space<hbm>>, %arg4: memref<2x10000x128xf32, #tpu.memory_space<hbm>>, %arg5: memref<32x1x10000xf32, #tpu.memory_space<hbm>>, %arg6: memref<8x80xi32, #tpu.memory_space<vmem>>, %arg7: memref<8x80xi32, #tpu.memory_space<vmem>>, %arg8: memref<8x80xi32, #tpu.memory_space<vmem>>, %arg9: memref<8x80xi32, #tpu.memory_space<vmem>>, %arg10: memref<80x128xf32, #tpu.memory_space<vmem>>, %arg11: memref<80x128xf32, #tpu.memory_space<vmem>>, %arg12: memref<10000xf32, #tpu.memory_space<vmem>>, %arg13: memref<10000x128xf32, #tpu.memory_space<vmem_shared>>, %arg14: memref<!tpu.dma_semaphore, #tpu.memory_space<semaphore_mem>>, %arg15: memref<!tpu.dma_semaphore, #tpu.memory_space<semaphore_mem>>, %arg16: memref<!tpu.dma_semaphore, #tpu.memory_space<semaphore_mem>>, %arg17: memref<!tpu.dma_semaphore, #tpu.memory_space<semaphore_mem>>) attributes {dimension_semantics = [#tpu.dimension_semantics<core_parallel>, #tpu.dimension_semantics<subcore_parallel>], iteration_bounds = array<i64: 2, 16>, scalar_prefetch = 0 : i64, scratch_operands = 12 : i64, tpu.core_type = #tpu.core_type<sc_vector_subcore>, window_params = [{transform_indices = #map}, {transform_indices = #map1}, {transform_indices = #map2}, {transform_indices = #map2}]} {
    %mul3A = arith.constant 16 : i32
    %mul3A_0 = arith.muli %arg0, %mul3A : i32
    %add3A = arith.addi %mul3A_0, %arg1 : i32
    %mul3A_1 = arith.constant 624 : i32
    %mul3A_2 = arith.muli %arg1, %mul3A_1 : i32
    %broadcast_in_dim3A = arith.constant 0.000000e+00 : f32
    %broadcast_in_dim3A_3 = vector.broadcast %broadcast_in_dim3A : f32 to vector<16xf32>
    %scan3A = arith.constant 0 : i32
    %scan3A_4 = arith.constant 0 : i32
    %scan3A_5 = arith.constant 80 : i32
    %scan3A_6 = arith.addi %scan3A_4, %scan3A_5 : i32
    %scan3A_7 = arith.constant 1 : i32
    scf.for %scan3A_78 = %scan3A_4 to %scan3A_6 step %scan3A_7  : i32 {
      %swap3A = arith.index_cast %scan3A_78 : i32 to index
      %swap3A_79 = arith.constant 0 : index
      %swap3A_80 = tpu.vector_load %arg10[%swap3A, %swap3A_79] {strides = array<i32>} : memref<80x128xf32, #tpu.memory_space<vmem>>, vector<16xf32>,
      tpu.vector_store %arg10[%swap3A, %swap3A_79], %broadcast_in_dim3A_3 {strides = array<i32>} : memref<80x128xf32, #tpu.memory_space<vmem>>, vector<16xf32>,
      %swap3A_81 = arith.index_cast %scan3A_78 : i32 to index
      %swap3A_82 = arith.constant 16 : index
      %swap3A_83 = tpu.vector_load %arg10[%swap3A_81, %swap3A_82] {strides = array<i32>} : memref<80x128xf32, #tpu.memory_space<vmem>>, vector<16xf32>,
      tpu.vector_store %arg10[%swap3A_81, %swap3A_82], %broadcast_in_dim3A_3 {strides = array<i32>} : memref<80x128xf32, #tpu.memory_space<vmem>>, vector<16xf32>,
      %swap3A_84 = arith.index_cast %scan3A_78 : i32 to index
      %swap3A_85 = arith.constant 32 : index
      %swap3A_86 = tpu.vector_load %arg10[%swap3A_84, %swap3A_85] {strides = array<i32>} : memref<80x128xf32, #tpu.memory_space<vmem>>, vector<16xf32>,
      tpu.vector_store %arg10[%swap3A_84, %swap3A_85], %broadcast_in_dim3A_3 {strides = array<i32>} : memref<80x128xf32, #tpu.memory_space<vmem>>, vector<16xf32>,
      %swap3A_87 = arith.index_cast %scan3A_78 : i32 to index
      %swap3A_88 = arith.constant 48 : index
      %swap3A_89 = tpu.vector_load %arg10[%swap3A_87, %swap3A_88] {strides = array<i32>} : memref<80x128xf32, #tpu.memory_space<vmem>>, vector<16xf32>,
      tpu.vector_store %arg10[%swap3A_87, %swap3A_88], %broadcast_in_dim3A_3 {strides = array<i32>} : memref<80x128xf32, #tpu.memory_space<vmem>>, vector<16xf32>,
      %swap3A_90 = arith.index_cast %scan3A_78 : i32 to index
      %swap3A_91 = arith.constant 64 : index
      %swap3A_92 = tpu.vector_load %arg10[%swap3A_90, %swap3A_91] {strides = array<i32>} : memref<80x128xf32, #tpu.memory_space<vmem>>, vector<16xf32>,
      tpu.vector_store %arg10[%swap3A_90, %swap3A_91], %broadcast_in_dim3A_3 {strides = array<i32>} : memref<80x128xf32, #tpu.memory_space<vmem>>, vector<16xf32>,
      %swap3A_93 = arith.index_cast %scan3A_78 : i32 to index
      %swap3A_94 = arith.constant 80 : index
      %swap3A_95 = tpu.vector_load %arg10[%swap3A_93, %swap3A_94] {strides = array<i32>} : memref<80x128xf32, #tpu.memory_space<vmem>>, vector<16xf32>,
      tpu.vector_store %arg10[%swap3A_93, %swap3A_94], %broadcast_in_dim3A_3 {strides = array<i32>} : memref<80x128xf32, #tpu.memory_space<vmem>>, vector<16xf32>,
      %swap3A_96 = arith.index_cast %scan3A_78 : i32 to index
      %swap3A_97 = arith.constant 96 : index
      %swap3A_98 = tpu.vector_load %arg10[%swap3A_96, %swap3A_97] {strides = array<i32>} : memref<80x128xf32, #tpu.memory_space<vmem>>, vector<16xf32>,
      tpu.vector_store %arg10[%swap3A_96, %swap3A_97], %broadcast_in_dim3A_3 {strides = array<i32>} : memref<80x128xf32, #tpu.memory_space<vmem>>, vector<16xf32>,
      %swap3A_99 = arith.index_cast %scan3A_78 : i32 to index
      %swap3A_100 = arith.constant 112 : index
      %swap3A_101 = tpu.vector_load %arg10[%swap3A_99, %swap3A_100] {strides = array<i32>} : memref<80x128xf32, #tpu.memory_space<vmem>>, vector<16xf32>,
      tpu.vector_store %arg10[%swap3A_99, %swap3A_100], %broadcast_in_dim3A_3 {strides = array<i32>} : memref<80x128xf32, #tpu.memory_space<vmem>>, vector<16xf32>,
    }
    %scan3A_8 = arith.constant 80 : i32
    %scan3A_9 = arith.constant 0 : i32
    %scan3A_10 = arith.constant 0 : i32
    %scan3A_11 = arith.constant 625 : i32
    %scan3A_12 = arith.addi %scan3A_10, %scan3A_11 : i32
    %scan3A_13 = arith.constant 1 : i32
    scf.for %scan3A_78 = %scan3A_10 to %scan3A_12 step %scan3A_13  : i32 {
      %mul3A_79 = arith.constant 16 : i32
      %mul3A_80 = arith.muli %scan3A_78, %mul3A_79 : i32
      %swap3A = arith.index_cast %mul3A_80 : i32 to index
      %swap3A_81 = tpu.vector_load %arg12[%swap3A] {strides = array<i32>} : memref<10000xf32, #tpu.memory_space<vmem>>, vector<16xf32>,
      tpu.vector_store %arg12[%swap3A], %broadcast_in_dim3A_3 {strides = array<i32>} : memref<10000xf32, #tpu.memory_space<vmem>>, vector<16xf32>,
    }
    %scan3A_14 = arith.constant 625 : i32
    %add3A_15 = arith.constant 0 : i32
    %add3A_16 = arith.addi %mul3A_2, %add3A_15 : i32
    "tpu.region"() ({
      %run_scoped3A_78 = tpu.sem_alloc : memref<!tpu.dma_semaphore, #tpu.memory_space<semaphore_mem>>
      %dma_start3A_79 = arith.constant 0 : i32
      %dma_start3A_80 = tpu.memref_slice %arg13[%add3A_16, %dma_start3A_79] : memref<10000x128xf32, #tpu.memory_space<vmem_shared>> -> memref<80x128xf32, #tpu.memory_space<vmem_shared>>
      %dma_start3A_81 = arith.constant 0 : i32
      %dma_start3A_82 = tpu.memref_slice %arg13[%add3A_16, %dma_start3A_81] : memref<10000x128xf32, #tpu.memory_space<vmem_shared>> -> memref<80x128xf32, #tpu.memory_space<vmem_shared>>
      tpu.enqueue_dma source(%arg10 : memref<80x128xf32, #tpu.memory_space<vmem>>) target(%dma_start3A_82 : memref<80x128xf32, #tpu.memory_space<vmem_shared>>) target_semaphore(%run_scoped3A_78 : memref<!tpu.dma_semaphore, #tpu.memory_space<semaphore_mem>>)
      %dma_wait3A = arith.constant 0 : i32
      %dma_wait3A_83 = tpu.memref_slice %arg13[%add3A_16, %dma_wait3A] : memref<10000x128xf32, #tpu.memory_space<vmem_shared>> -> memref<80x128xf32, #tpu.memory_space<vmem_shared>>
      %dma_wait3A_84 = arith.constant 0 : i32
      %dma_wait3A_85 = tpu.memref_slice %arg13[%add3A_16, %dma_wait3A_84] : memref<10000x128xf32, #tpu.memory_space<vmem_shared>> -> memref<80x128xf32, #tpu.memory_space<vmem_shared>>
      tpu.wait_dma2 semaphore(%run_scoped3A_78 : memref<!tpu.dma_semaphore, #tpu.memory_space<semaphore_mem>>) src(%arg10 : memref<80x128xf32, #tpu.memory_space<vmem>>) dst(%dma_wait3A_85 : memref<80x128xf32, #tpu.memory_space<vmem_shared>>)
      tpu.yield
    }) : () -> ()
    %add3A_17 = arith.constant 80 : i32
    %add3A_18 = arith.addi %mul3A_2, %add3A_17 : i32
    "tpu.region"() ({
      %run_scoped3A_78 = tpu.sem_alloc : memref<!tpu.dma_semaphore, #tpu.memory_space<semaphore_mem>>
      %dma_start3A_79 = arith.constant 0 : i32
      %dma_start3A_80 = tpu.memref_slice %arg13[%add3A_18, %dma_start3A_79] : memref<10000x128xf32, #tpu.memory_space<vmem_shared>> -> memref<80x128xf32, #tpu.memory_space<vmem_shared>>
      %dma_start3A_81 = arith.constant 0 : i32
      %dma_start3A_82 = tpu.memref_slice %arg13[%add3A_18, %dma_start3A_81] : memref<10000x128xf32, #tpu.memory_space<vmem_shared>> -> memref<80x128xf32, #tpu.memory_space<vmem_shared>>
      tpu.enqueue_dma source(%arg10 : memref<80x128xf32, #tpu.memory_space<vmem>>) target(%dma_start3A_82 : memref<80x128xf32, #tpu.memory_space<vmem_shared>>) target_semaphore(%run_scoped3A_78 : memref<!tpu.dma_semaphore, #tpu.memory_space<semaphore_mem>>)
      %dma_wait3A = arith.constant 0 : i32
      %dma_wait3A_83 = tpu.memref_slice %arg13[%add3A_18, %dma_wait3A] : memref<10000x128xf32, #tpu.memory_space<vmem_shared>> -> memref<80x128xf32, #tpu.memory_space<vmem_shared>>
      %dma_wait3A_84 = arith.constant 0 : i32
      %dma_wait3A_85 = tpu.memref_slice %arg13[%add3A_18, %dma_wait3A_84] : memref<10000x128xf32, #tpu.memory_space<vmem_shared>> -> memref<80x128xf32, #tpu.memory_space<vmem_shared>>
      tpu.wait_dma2 semaphore(%run_scoped3A_78 : memref<!tpu.dma_semaphore, #tpu.memory_space<semaphore_mem>>) src(%arg10 : memref<80x128xf32, #tpu.memory_space<vmem>>) dst(%dma_wait3A_85 : memref<80x128xf32, #tpu.memory_space<vmem_shared>>)
      tpu.yield
    }) : () -> ()
    %add3A_19 = arith.constant 160 : i32
    %add3A_20 = arith.addi %mul3A_2, %add3A_19 : i32
    "tpu.region"() ({
      %run_scoped3A_78 = tpu.sem_alloc : memref<!tpu.dma_semaphore, #tpu.memory_space<semaphore_mem>>
      %dma_start3A_79 = arith.constant 0 : i32
      %dma_start3A_80 = tpu.memref_slice %arg13[%add3A_20, %dma_start3A_79] : memref<10000x128xf32, #tpu.memory_space<vmem_shared>> -> memref<80x128xf32, #tpu.memory_space<vmem_shared>>
      %dma_start3A_81 = arith.constant 0 : i32
      %dma_start3A_82 = tpu.memref_slice %arg13[%add3A_20, %dma_start3A_81] : memref<10000x128xf32, #tpu.memory_space<vmem_shared>> -> memref<80x128xf32, #tpu.memory_space<vmem_shared>>
      tpu.enqueue_dma source(%arg10 : memref<80x128xf32, #tpu.memory_space<vmem>>) target(%dma_start3A_82 : memref<80x128xf32, #tpu.memory_space<vmem_shared>>) target_semaphore(%run_scoped3A_78 : memref<!tpu.dma_semaphore, #tpu.memory_space<semaphore_mem>>)
      %dma_wait3A = arith.constant 0 : i32
      %dma_wait3A_83 = tpu.memref_slice %arg13[%add3A_20, %dma_wait3A] : memref<10000x128xf32, #tpu.memory_space<vmem_shared>> -> memref<80x128xf32, #tpu.memory_space<vmem_shared>>
      %dma_wait3A_84 = arith.constant 0 : i32
      %dma_wait3A_85 = tpu.memref_slice %arg13[%add3A_20, %dma_wait3A_84] : memref<10000x128xf32, #tpu.memory_space<vmem_shared>> -> memref<80x128xf32, #tpu.memory_space<vmem_shared>>
      tpu.wait_dma2 semaphore(%run_scoped3A_78 : memref<!tpu.dma_semaphore, #tpu.memory_space<semaphore_mem>>) src(%arg10 : memref<80x128xf32, #tpu.memory_space<vmem>>) dst(%dma_wait3A_85 : memref<80x128xf32, #tpu.memory_space<vmem_shared>>)
      tpu.yield
    }) : () -> ()
    %add3A_21 = arith.constant 240 : i32
    %add3A_22 = arith.addi %mul3A_2, %add3A_21 : i32
    "tpu.region"() ({
      %run_scoped3A_78 = tpu.sem_alloc : memref<!tpu.dma_semaphore, #tpu.memory_space<semaphore_mem>>
      %dma_start3A_79 = arith.constant 0 : i32
      %dma_start3A_80 = tpu.memref_slice %arg13[%add3A_22, %dma_start3A_79] : memref<10000x128xf32, #tpu.memory_space<vmem_shared>> -> memref<80x128xf32, #tpu.memory_space<vmem_shared>>
      %dma_start3A_81 = arith.constant 0 : i32
      %dma_start3A_82 = tpu.memref_slice %arg13[%add3A_22, %dma_start3A_81] : memref<10000x128xf32, #tpu.memory_space<vmem_shared>> -> memref<80x128xf32, #tpu.memory_space<vmem_shared>>
      tpu.enqueue_dma source(%arg10 : memref<80x128xf32, #tpu.memory_space<vmem>>) target(%dma_start3A_82 : memref<80x128xf32, #tpu.memory_space<vmem_shared>>) target_semaphore(%run_scoped3A_78 : memref<!tpu.dma_semaphore, #tpu.memory_space<semaphore_mem>>)
      %dma_wait3A = arith.constant 0 : i32
      %dma_wait3A_83 = tpu.memref_slice %arg13[%add3A_22, %dma_wait3A] : memref<10000x128xf32, #tpu.memory_space<vmem_shared>> -> memref<80x128xf32, #tpu.memory_space<vmem_shared>>
      %dma_wait3A_84 = arith.constant 0 : i32
      %dma_wait3A_85 = tpu.memref_slice %arg13[%add3A_22, %dma_wait3A_84] : memref<10000x128xf32, #tpu.memory_space<vmem_shared>> -> memref<80x128xf32, #tpu.memory_space<vmem_shared>>
      tpu.wait_dma2 semaphore(%run_scoped3A_78 : memref<!tpu.dma_semaphore, #tpu.memory_space<semaphore_mem>>) src(%arg10 : memref<80x128xf32, #tpu.memory_space<vmem>>) dst(%dma_wait3A_85 : memref<80x128xf32, #tpu.memory_space<vmem_shared>>)
      tpu.yield
    }) : () -> ()
    %add3A_23 = arith.constant 320 : i32
    %add3A_24 = arith.addi %mul3A_2, %add3A_23 : i32
    "tpu.region"() ({
      %run_scoped3A_78 = tpu.sem_alloc : memref<!tpu.dma_semaphore, #tpu.memory_space<semaphore_mem>>
      %dma_start3A_79 = arith.constant 0 : i32
      %dma_start3A_80 = tpu.memref_slice %arg13[%add3A_24, %dma_start3A_79] : memref<10000x128xf32, #tpu.memory_space<vmem_shared>> -> memref<80x128xf32, #tpu.memory_space<vmem_shared>>
      %dma_start3A_81 = arith.constant 0 : i32
      %dma_start3A_82 = tpu.memref_slice %arg13[%add3A_24, %dma_start3A_81] : memref<10000x128xf32, #tpu.memory_space<vmem_shared>> -> memref<80x128xf32, #tpu.memory_space<vmem_shared>>
      tpu.enqueue_dma source(%arg10 : memref<80x128xf32, #tpu.memory_space<vmem>>) target(%dma_start3A_82 : memref<80x128xf32, #tpu.memory_space<vmem_shared>>) target_semaphore(%run_scoped3A_78 : memref<!tpu.dma_semaphore, #tpu.memory_space<semaphore_mem>>)
      %dma_wait3A = arith.constant 0 : i32
      %dma_wait3A_83 = tpu.memref_slice %arg13[%add3A_24, %dma_wait3A] : memref<10000x128xf32, #tpu.memory_space<vmem_shared>> -> memref<80x128xf32, #tpu.memory_space<vmem_shared>>
      %dma_wait3A_84 = arith.constant 0 : i32
      %dma_wait3A_85 = tpu.memref_slice %arg13[%add3A_24, %dma_wait3A_84] : memref<10000x128xf32, #tpu.memory_space<vmem_shared>> -> memref<80x128xf32, #tpu.memory_space<vmem_shared>>
      tpu.wait_dma2 semaphore(%run_scoped3A_78 : memref<!tpu.dma_semaphore, #tpu.memory_space<semaphore_mem>>) src(%arg10 : memref<80x128xf32, #tpu.memory_space<vmem>>) dst(%dma_wait3A_85 : memref<80x128xf32, #tpu.memory_space<vmem_shared>>)
      tpu.yield
    }) : () -> ()
    %add3A_25 = arith.constant 400 : i32
    %add3A_26 = arith.addi %mul3A_2, %add3A_25 : i32
    "tpu.region"() ({
      %run_scoped3A_78 = tpu.sem_alloc : memref<!tpu.dma_semaphore, #tpu.memory_space<semaphore_mem>>
      %dma_start3A_79 = arith.constant 0 : i32
      %dma_start3A_80 = tpu.memref_slice %arg13[%add3A_26, %dma_start3A_79] : memref<10000x128xf32, #tpu.memory_space<vmem_shared>> -> memref<80x128xf32, #tpu.memory_space<vmem_shared>>
      %dma_start3A_81 = arith.constant 0 : i32
      %dma_start3A_82 = tpu.memref_slice %arg13[%add3A_26, %dma_start3A_81] : memref<10000x128xf32, #tpu.memory_space<vmem_shared>> -> memref<80x128xf32, #tpu.memory_space<vmem_shared>>
      tpu.enqueue_dma source(%arg10 : memref<80x128xf32, #tpu.memory_space<vmem>>) target(%dma_start3A_82 : memref<80x128xf32, #tpu.memory_space<vmem_shared>>) target_semaphore(%run_scoped3A_78 : memref<!tpu.dma_semaphore, #tpu.memory_space<semaphore_mem>>)
      %dma_wait3A = arith.constant 0 : i32
      %dma_wait3A_83 = tpu.memref_slice %arg13[%add3A_26, %dma_wait3A] : memref<10000x128xf32, #tpu.memory_space<vmem_shared>> -> memref<80x128xf32, #tpu.memory_space<vmem_shared>>
      %dma_wait3A_84 = arith.constant 0 : i32
      %dma_wait3A_85 = tpu.memref_slice %arg13[%add3A_26, %dma_wait3A_84] : memref<10000x128xf32, #tpu.memory_space<vmem_shared>> -> memref<80x128xf32, #tpu.memory_space<vmem_shared>>
      tpu.wait_dma2 semaphore(%run_scoped3A_78 : memref<!tpu.dma_semaphore, #tpu.memory_space<semaphore_mem>>) src(%arg10 : memref<80x128xf32, #tpu.memory_space<vmem>>) dst(%dma_wait3A_85 : memref<80x128xf32, #tpu.memory_space<vmem_shared>>)
      tpu.yield
    }) : () -> ()
    %add3A_27 = arith.constant 480 : i32
    %add3A_28 = arith.addi %mul3A_2, %add3A_27 : i32
    "tpu.region"() ({
      %run_scoped3A_78 = tpu.sem_alloc : memref<!tpu.dma_semaphore, #tpu.memory_space<semaphore_mem>>
      %dma_start3A_79 = arith.constant 0 : i32
      %dma_start3A_80 = tpu.memref_slice %arg13[%add3A_28, %dma_start3A_79] : memref<10000x128xf32, #tpu.memory_space<vmem_shared>> -> memref<80x128xf32, #tpu.memory_space<vmem_shared>>
      %dma_start3A_81 = arith.constant 0 : i32
      %dma_start3A_82 = tpu.memref_slice %arg13[%add3A_28, %dma_start3A_81] : memref<10000x128xf32, #tpu.memory_space<vmem_shared>> -> memref<80x128xf32, #tpu.memory_space<vmem_shared>>
      tpu.enqueue_dma source(%arg10 : memref<80x128xf32, #tpu.memory_space<vmem>>) target(%dma_start3A_82 : memref<80x128xf32, #tpu.memory_space<vmem_shared>>) target_semaphore(%run_scoped3A_78 : memref<!tpu.dma_semaphore, #tpu.memory_space<semaphore_mem>>)
      %dma_wait3A = arith.constant 0 : i32
      %dma_wait3A_83 = tpu.memref_slice %arg13[%add3A_28, %dma_wait3A] : memref<10000x128xf32, #tpu.memory_space<vmem_shared>> -> memref<80x128xf32, #tpu.memory_space<vmem_shared>>
      %dma_wait3A_84 = arith.constant 0 : i32
      %dma_wait3A_85 = tpu.memref_slice %arg13[%add3A_28, %dma_wait3A_84] : memref<10000x128xf32, #tpu.memory_space<vmem_shared>> -> memref<80x128xf32, #tpu.memory_space<vmem_shared>>
      tpu.wait_dma2 semaphore(%run_scoped3A_78 : memref<!tpu.dma_semaphore, #tpu.memory_space<semaphore_mem>>) src(%arg10 : memref<80x128xf32, #tpu.memory_space<vmem>>) dst(%dma_wait3A_85 : memref<80x128xf32, #tpu.memory_space<vmem_shared>>)
      tpu.yield
    }) : () -> ()
    %add3A_29 = arith.constant 560 : i32
    %add3A_30 = arith.addi %mul3A_2, %add3A_29 : i32
    "tpu.region"() ({
      %run_scoped3A_78 = tpu.sem_alloc : memref<!tpu.dma_semaphore, #tpu.memory_space<semaphore_mem>>
      %dma_start3A_79 = arith.constant 0 : i32
      %dma_start3A_80 = arith.constant 0 : i32
      %dma_start3A_81 = tpu.memref_slice %arg10[%dma_start3A_79, %dma_start3A_80] : memref<80x128xf32, #tpu.memory_space<vmem>> -> memref<64x128xf32, #tpu.memory_space<vmem>>
      %dma_start3A_82 = arith.constant 0 : i32
      %dma_start3A_83 = tpu.memref_slice %arg13[%add3A_30, %dma_start3A_82] : memref<10000x128xf32, #tpu.memory_space<vmem_shared>> -> memref<64x128xf32, #tpu.memory_space<vmem_shared>>
      %dma_start3A_84 = arith.constant 0 : i32
      %dma_start3A_85 = tpu.memref_slice %arg13[%add3A_30, %dma_start3A_84] : memref<10000x128xf32, #tpu.memory_space<vmem_shared>> -> memref<64x128xf32, #tpu.memory_space<vmem_shared>>
      %dma_start3A_86 = arith.constant 0 : i32
      %dma_start3A_87 = arith.constant 0 : i32
      %dma_start3A_88 = tpu.memref_slice %arg10[%dma_start3A_86, %dma_start3A_87] : memref<80x128xf32, #tpu.memory_space<vmem>> -> memref<64x128xf32, #tpu.memory_space<vmem>>
      tpu.enqueue_dma source(%dma_start3A_88 : memref<64x128xf32, #tpu.memory_space<vmem>>) target(%dma_start3A_85 : memref<64x128xf32, #tpu.memory_space<vmem_shared>>) target_semaphore(%run_scoped3A_78 : memref<!tpu.dma_semaphore, #tpu.memory_space<semaphore_mem>>)
      %dma_wait3A = arith.constant 0 : i32
      %dma_wait3A_89 = arith.constant 0 : i32
      %dma_wait3A_90 = tpu.memref_slice %arg10[%dma_wait3A, %dma_wait3A_89] : memref<80x128xf32, #tpu.memory_space<vmem>> -> memref<64x128xf32, #tpu.memory_space<vmem>>
      %dma_wait3A_91 = arith.constant 0 : i32
      %dma_wait3A_92 = tpu.memref_slice %arg13[%add3A_30, %dma_wait3A_91] : memref<10000x128xf32, #tpu.memory_space<vmem_shared>> -> memref<64x128xf32, #tpu.memory_space<vmem_shared>>
      %dma_wait3A_93 = arith.constant 0 : i32
      %dma_wait3A_94 = tpu.memref_slice %arg13[%add3A_30, %dma_wait3A_93] : memref<10000x128xf32, #tpu.memory_space<vmem_shared>> -> memref<64x128xf32, #tpu.memory_space<vmem_shared>>
      %dma_wait3A_95 = arith.constant 0 : i32
      %dma_wait3A_96 = arith.constant 0 : i32
      %dma_wait3A_97 = tpu.memref_slice %arg10[%dma_wait3A_95, %dma_wait3A_96] : memref<80x128xf32, #tpu.memory_space<vmem>> -> memref<64x128xf32, #tpu.memory_space<vmem>>
      tpu.wait_dma2 semaphore(%run_scoped3A_78 : memref<!tpu.dma_semaphore, #tpu.memory_space<semaphore_mem>>) src(%dma_wait3A_97 : memref<64x128xf32, #tpu.memory_space<vmem>>) dst(%dma_wait3A_94 : memref<64x128xf32, #tpu.memory_space<vmem_shared>>)
      tpu.yield
    }) : () -> ()
    %eq3A = arith.constant 0 : i32
    %eq3A_31 = arith.cmpi eq, %arg1, %eq3A : i32
    %convert_element_type3A = arith.extui %eq3A_31 : i1 to i32
    %cond3A = arith.constant 0 : i32
    %cond3A_32 = arith.cmpi ne, %convert_element_type3A, %cond3A : i32
    scf.if %cond3A_32 {
      "tpu.region"() ({
        %run_scoped3A_78 = tpu.sem_alloc : memref<!tpu.dma_semaphore, #tpu.memory_space<semaphore_mem>>
        %dma_start3A_79 = arith.constant 0 : i32
        %dma_start3A_80 = arith.constant 0 : i32
        %dma_start3A_81 = tpu.memref_slice %arg10[%dma_start3A_79, %dma_start3A_80] : memref<80x128xf32, #tpu.memory_space<vmem>> -> memref<16x128xf32, #tpu.memory_space<vmem>>
        %dma_start3A_82 = arith.constant 9984 : i32
        %dma_start3A_83 = arith.constant 0 : i32
        %dma_start3A_84 = tpu.memref_slice %arg13[%dma_start3A_82, %dma_start3A_83] : memref<10000x128xf32, #tpu.memory_space<vmem_shared>> -> memref<16x128xf32, #tpu.memory_space<vmem_shared>>
        %dma_start3A_85 = arith.constant 9984 : i32
        %dma_start3A_86 = arith.constant 0 : i32
        %dma_start3A_87 = tpu.memref_slice %arg13[%dma_start3A_85, %dma_start3A_86] : memref<10000x128xf32, #tpu.memory_space<vmem_shared>> -> memref<16x128xf32, #tpu.memory_space<vmem_shared>>
        %dma_start3A_88 = arith.constant 0 : i32
        %dma_start3A_89 = arith.constant 0 : i32
        %dma_start3A_90 = tpu.memref_slice %arg10[%dma_start3A_88, %dma_start3A_89] : memref<80x128xf32, #tpu.memory_space<vmem>> -> memref<16x128xf32, #tpu.memory_space<vmem>>
        tpu.enqueue_dma source(%dma_start3A_90 : memref<16x128xf32, #tpu.memory_space<vmem>>) target(%dma_start3A_87 : memref<16x128xf32, #tpu.memory_space<vmem_shared>>) target_semaphore(%run_scoped3A_78 : memref<!tpu.dma_semaphore, #tpu.memory_space<semaphore_mem>>)
        %dma_wait3A = arith.constant 0 : i32
        %dma_wait3A_91 = arith.constant 0 : i32
        %dma_wait3A_92 = tpu.memref_slice %arg10[%dma_wait3A, %dma_wait3A_91] : memref<80x128xf32, #tpu.memory_space<vmem>> -> memref<16x128xf32, #tpu.memory_space<vmem>>
        %dma_wait3A_93 = arith.constant 9984 : i32
        %dma_wait3A_94 = arith.constant 0 : i32
        %dma_wait3A_95 = tpu.memref_slice %arg13[%dma_wait3A_93, %dma_wait3A_94] : memref<10000x128xf32, #tpu.memory_space<vmem_shared>> -> memref<16x128xf32, #tpu.memory_space<vmem_shared>>
        %dma_wait3A_96 = arith.constant 9984 : i32
        %dma_wait3A_97 = arith.constant 0 : i32
        %dma_wait3A_98 = tpu.memref_slice %arg13[%dma_wait3A_96, %dma_wait3A_97] : memref<10000x128xf32, #tpu.memory_space<vmem_shared>> -> memref<16x128xf32, #tpu.memory_space<vmem_shared>>
        %dma_wait3A_99 = arith.constant 0 : i32
        %dma_wait3A_100 = arith.constant 0 : i32
        %dma_wait3A_101 = tpu.memref_slice %arg10[%dma_wait3A_99, %dma_wait3A_100] : memref<80x128xf32, #tpu.memory_space<vmem>> -> memref<16x128xf32, #tpu.memory_space<vmem>>
        tpu.wait_dma2 semaphore(%run_scoped3A_78 : memref<!tpu.dma_semaphore, #tpu.memory_space<semaphore_mem>>) src(%dma_wait3A_101 : memref<16x128xf32, #tpu.memory_space<vmem>>) dst(%dma_wait3A_98 : memref<16x128xf32, #tpu.memory_space<vmem_shared>>)
        tpu.yield
      }) : () -> ()
    } else {
    }
    %broadcast_in_dim3A_33 = arith.constant 1.000000e+00 : f32
    %broadcast_in_dim3A_34 = vector.broadcast %broadcast_in_dim3A_33 : f32 to vector<16xf32>
    %mul3A_35 = arith.constant 250 : i32
    %mul3A_36 = arith.muli %arg0, %mul3A_35 : i32
    %mul3A_37 = arith.constant 15 : i32
    %mul3A_38 = arith.muli %arg1, %mul3A_37 : i32
    %add3A_39 = arith.addi %mul3A_36, %mul3A_38 : i32
    %min3A = arith.constant 10 : i32
    %min3A_40 = arith.minsi %arg1, %min3A : i32
    %add3A_41 = arith.addi %add3A_39, %min3A_40 : i32
    %add3A_42 = arith.constant 15 : i32
    %add3A_43 = arith.addi %add3A_41, %add3A_42 : i32
    %lt3A = arith.constant 10 : i32
    %lt3A_44 = arith.cmpi slt, %arg1, %lt3A : i32
    %convert_element_type3A_45 = arith.extui %lt3A_44 : i1 to i32
    %add3A_46 = arith.addi %add3A_43, %convert_element_type3A_45 : i32
    %min3A_47 = arith.constant 499 : i32
    %min3A_48 = arith.minsi %add3A_41, %min3A_47 : i32
    %dma_start3A = arith.constant 0 : i32
    %dma_start3A_49 = arith.constant 0 : i32
    %dma_start3A_50 = arith.constant 0 : i32
    %dma_start3A_51 = tpu.memref_slice %arg3[%dma_start3A, %min3A_48, %dma_start3A_49, %dma_start3A_50] : memref<2x500x8x80xi32, #tpu.memory_space<hbm>> -> memref<1x1x8x80xi32, #tpu.memory_space<hbm>>
    %dma_start3A_52 = tpu.memref_squeeze %dma_start3A_51 : memref<1x1x8x80xi32, #tpu.memory_space<hbm>> -> memref<8x80xi32, #tpu.memory_space<hbm>>
    %dma_start3A_53 = arith.constant 0 : i32
    %dma_start3A_54 = arith.constant 0 : i32
    %dma_start3A_55 = tpu.memref_slice %arg3[%dma_start3A, %min3A_48, %dma_start3A_53, %dma_start3A_54] : memref<2x500x8x80xi32, #tpu.memory_space<hbm>> -> memref<1x1x8x80xi32, #tpu.memory_space<hbm>>
    %dma_start3A_56 = tpu.memref_squeeze %dma_start3A_55 : memref<1x1x8x80xi32, #tpu.memory_space<hbm>> -> memref<8x80xi32, #tpu.memory_space<hbm>>
    tpu.enqueue_dma source(%dma_start3A_56 : memref<8x80xi32, #tpu.memory_space<hbm>>) target(%arg6 : memref<8x80xi32, #tpu.memory_space<vmem>>) target_semaphore(%arg16 : memref<!tpu.dma_semaphore, #tpu.memory_space<semaphore_mem>>)
    %dma_start3A_57 = arith.constant 1 : i32
    %dma_start3A_58 = arith.constant 0 : i32
    %dma_start3A_59 = arith.constant 0 : i32
    %dma_start3A_60 = tpu.memref_slice %arg3[%dma_start3A_57, %min3A_48, %dma_start3A_58, %dma_start3A_59] : memref<2x500x8x80xi32, #tpu.memory_space<hbm>> -> memref<1x1x8x80xi32, #tpu.memory_space<hbm>>
    %dma_start3A_61 = tpu.memref_squeeze %dma_start3A_60 : memref<1x1x8x80xi32, #tpu.memory_space<hbm>> -> memref<8x80xi32, #tpu.memory_space<hbm>>
    %dma_start3A_62 = arith.constant 0 : i32
    %dma_start3A_63 = arith.constant 0 : i32
    %dma_start3A_64 = tpu.memref_slice %arg3[%dma_start3A_57, %min3A_48, %dma_start3A_62, %dma_start3A_63] : memref<2x500x8x80xi32, #tpu.memory_space<hbm>> -> memref<1x1x8x80xi32, #tpu.memory_space<hbm>>
    %dma_start3A_65 = tpu.memref_squeeze %dma_start3A_64 : memref<1x1x8x80xi32, #tpu.memory_space<hbm>> -> memref<8x80xi32, #tpu.memory_space<hbm>>
    tpu.enqueue_dma source(%dma_start3A_65 : memref<8x80xi32, #tpu.memory_space<hbm>>) target(%arg7 : memref<8x80xi32, #tpu.memory_space<vmem>>) target_semaphore(%arg16 : memref<!tpu.dma_semaphore, #tpu.memory_space<semaphore_mem>>)
    %barrier3A = arith.constant 0 : index
    tpu.barrier barrier_id(%barrier3A)
    %scan3A_66 = arith.constant 0 : i32
    %scan3A_67 = arith.constant 0 : i32
    %scan3A_68 = arith.constant 8 : i32
    %scan3A_69 = arith.addi %scan3A_67, %scan3A_68 : i32
    %scan3A_70 = arith.constant 1 : i32
    scf.for %scan3A_78 = %scan3A_67 to %scan3A_69 step %scan3A_70  : i32 {
      %mul3A_79 = arith.constant 2 : i32
      %mul3A_80 = arith.muli %mul3A_79, %scan3A_78 : i32
      %add3A_81 = arith.addi %add3A_41, %mul3A_80 : i32
      %dma_wait3A = arith.constant 0 : i32
      %dma_wait3A_82 = arith.constant 0 : i32
      %dma_wait3A_83 = arith.constant 0 : i32
      %dma_wait3A_84 = arith.constant 0 : i32
      %dma_wait3A_85 = tpu.memref_slice %arg3[%dma_wait3A, %dma_wait3A_82, %dma_wait3A_83, %dma_wait3A_84] : memref<2x500x8x80xi32, #tpu.memory_space<hbm>> -> memref<1x1x8x80xi32, #tpu.memory_space<hbm>>
      %dma_wait3A_86 = tpu.memref_squeeze %dma_wait3A_85 : memref<1x1x8x80xi32, #tpu.memory_space<hbm>> -> memref<8x80xi32, #tpu.memory_space<hbm>>
      %dma_wait3A_87 = arith.constant 0 : i32
      %dma_wait3A_88 = arith.constant 0 : i32
      %dma_wait3A_89 = tpu.memref_slice %arg3[%dma_wait3A, %dma_wait3A_82, %dma_wait3A_87, %dma_wait3A_88] : memref<2x500x8x80xi32, #tpu.memory_space<hbm>> -> memref<1x1x8x80xi32, #tpu.memory_space<hbm>>
      %dma_wait3A_90 = tpu.memref_squeeze %dma_wait3A_89 : memref<1x1x8x80xi32, #tpu.memory_space<hbm>> -> memref<8x80xi32, #tpu.memory_space<hbm>>
      tpu.wait_dma2 semaphore(%arg16 : memref<!tpu.dma_semaphore, #tpu.memory_space<semaphore_mem>>) src(%dma_wait3A_90 : memref<8x80xi32, #tpu.memory_space<hbm>>) dst(%arg6 : memref<8x80xi32, #tpu.memory_space<vmem>>)
      %dma_wait3A_91 = arith.constant 0 : i32
      %dma_wait3A_92 = arith.constant 0 : i32
      %dma_wait3A_93 = arith.constant 0 : i32
      %dma_wait3A_94 = arith.constant 0 : i32
      %dma_wait3A_95 = tpu.memref_slice %arg3[%dma_wait3A_91, %dma_wait3A_92, %dma_wait3A_93, %dma_wait3A_94] : memref<2x500x8x80xi32, #tpu.memory_space<hbm>> -> memref<1x1x8x80xi32, #tpu.memory_space<hbm>>
      %dma_wait3A_96 = tpu.memref_squeeze %dma_wait3A_95 : memref<1x1x8x80xi32, #tpu.memory_space<hbm>> -> memref<8x80xi32, #tpu.memory_space<hbm>>
      %dma_wait3A_97 = arith.constant 0 : i32
      %dma_wait3A_98 = arith.constant 0 : i32
      %dma_wait3A_99 = tpu.memref_slice %arg3[%dma_wait3A_91, %dma_wait3A_92, %dma_wait3A_97, %dma_wait3A_98] : memref<2x500x8x80xi32, #tpu.memory_space<hbm>> -> memref<1x1x8x80xi32, #tpu.memory_space<hbm>>
      %dma_wait3A_100 = tpu.memref_squeeze %dma_wait3A_99 : memref<1x1x8x80xi32, #tpu.memory_space<hbm>> -> memref<8x80xi32, #tpu.memory_space<hbm>>
      tpu.wait_dma2 semaphore(%arg16 : memref<!tpu.dma_semaphore, #tpu.memory_space<semaphore_mem>>) src(%dma_wait3A_100 : memref<8x80xi32, #tpu.memory_space<hbm>>) dst(%arg7 : memref<8x80xi32, #tpu.memory_space<vmem>>)
      %add3A_101 = arith.constant 1 : i32
      %add3A_102 = arith.addi %add3A_81, %add3A_101 : i32
      %min3A_103 = arith.constant 499 : i32
      %min3A_104 = arith.minsi %add3A_102, %min3A_103 : i32
      %dma_start3A_105 = arith.constant 0 : i32
      %dma_start3A_106 = arith.constant 0 : i32
      %dma_start3A_107 = arith.constant 0 : i32
      %dma_start3A_108 = tpu.memref_slice %arg3[%dma_start3A_105, %min3A_104, %dma_start3A_106, %dma_start3A_107] : memref<2x500x8x80xi32, #tpu.memory_space<hbm>> -> memref<1x1x8x80xi32, #tpu.memory_space<hbm>>
      %dma_start3A_109 = tpu.memref_squeeze %dma_start3A_108 : memref<1x1x8x80xi32, #tpu.memory_space<hbm>> -> memref<8x80xi32, #tpu.memory_space<hbm>>
      %dma_start3A_110 = arith.constant 0 : i32
      %dma_start3A_111 = arith.constant 0 : i32
      %dma_start3A_112 = tpu.memref_slice %arg3[%dma_start3A_105, %min3A_104, %dma_start3A_110, %dma_start3A_111] : memref<2x500x8x80xi32, #tpu.memory_space<hbm>> -> memref<1x1x8x80xi32, #tpu.memory_space<hbm>>
      %dma_start3A_113 = tpu.memref_squeeze %dma_start3A_112 : memref<1x1x8x80xi32, #tpu.memory_space<hbm>> -> memref<8x80xi32, #tpu.memory_space<hbm>>
      tpu.enqueue_dma source(%dma_start3A_113 : memref<8x80xi32, #tpu.memory_space<hbm>>) target(%arg8 : memref<8x80xi32, #tpu.memory_space<vmem>>) target_semaphore(%arg17 : memref<!tpu.dma_semaphore, #tpu.memory_space<semaphore_mem>>)
      %dma_start3A_114 = arith.constant 1 : i32
      %dma_start3A_115 = arith.constant 0 : i32
      %dma_start3A_116 = arith.constant 0 : i32
      %dma_start3A_117 = tpu.memref_slice %arg3[%dma_start3A_114, %min3A_104, %dma_start3A_115, %dma_start3A_116] : memref<2x500x8x80xi32, #tpu.memory_space<hbm>> -> memref<1x1x8x80xi32, #tpu.memory_space<hbm>>
      %dma_start3A_118 = tpu.memref_squeeze %dma_start3A_117 : memref<1x1x8x80xi32, #tpu.memory_space<hbm>> -> memref<8x80xi32, #tpu.memory_space<hbm>>
      %dma_start3A_119 = arith.constant 0 : i32
      %dma_start3A_120 = arith.constant 0 : i32
      %dma_start3A_121 = tpu.memref_slice %arg3[%dma_start3A_114, %min3A_104, %dma_start3A_119, %dma_start3A_120] : memref<2x500x8x80xi32, #tpu.memory_space<hbm>> -> memref<1x1x8x80xi32, #tpu.memory_space<hbm>>
      %dma_start3A_122 = tpu.memref_squeeze %dma_start3A_121 : memref<1x1x8x80xi32, #tpu.memory_space<hbm>> -> memref<8x80xi32, #tpu.memory_space<hbm>>
      tpu.enqueue_dma source(%dma_start3A_122 : memref<8x80xi32, #tpu.memory_space<hbm>>) target(%arg9 : memref<8x80xi32, #tpu.memory_space<vmem>>) target_semaphore(%arg17 : memref<!tpu.dma_semaphore, #tpu.memory_space<semaphore_mem>>)
      %lt3A_123 = arith.cmpi slt, %add3A_81, %add3A_46 : i32
      %convert_element_type3A_124 = arith.extui %lt3A_123 : i1 to i32
      %cond3A_125 = arith.constant 0 : i32
      %cond3A_126 = arith.cmpi ne, %convert_element_type3A_124, %cond3A_125 : i32
      scf.if %cond3A_126 {
        %dma_start3A_158 = arith.constant 0 : i32
        %dma_start3A_159 = arith.constant 0 : i32
        %dma_start3A_160 = tpu.memref_slice %arg6[%dma_start3A_158, %dma_start3A_159] : memref<8x80xi32, #tpu.memory_space<vmem>> -> memref<1x80xi32, #tpu.memory_space<vmem>>
        %dma_start3A_161 = tpu.memref_squeeze %dma_start3A_160 : memref<1x80xi32, #tpu.memory_space<vmem>> -> memref<80xi32, #tpu.memory_space<vmem>>
        %dma_start3A_162 = arith.constant 0 : i32
        %dma_start3A_163 = arith.constant 0 : i32
        %dma_start3A_164 = tpu.memref_slice %arg2[%dma_start3A_162, %dma_start3A_163] : memref<10000x128xf32, #tpu.memory_space<hbm>> -> memref<10000x128xf32, #tpu.memory_space<hbm>>
        tpu.enqueue_indirect_dma source(%dma_start3A_164 : memref<10000x128xf32, #tpu.memory_space<hbm>>) target(%arg10 : memref<80x128xf32, #tpu.memory_space<vmem>>) offsets(%dma_start3A_161 : memref<80xi32, #tpu.memory_space<vmem>>) semaphore(%arg14 : memref<!tpu.dma_semaphore, #tpu.memory_space<semaphore_mem>>)
        %dma_wait3A_165 = arith.constant 0 : i32
        %dma_wait3A_166 = arith.constant 0 : i32
        %dma_wait3A_167 = tpu.memref_slice %arg6[%dma_wait3A_165, %dma_wait3A_166] : memref<8x80xi32, #tpu.memory_space<vmem>> -> memref<1x80xi32, #tpu.memory_space<vmem>>
        %dma_wait3A_168 = tpu.memref_squeeze %dma_wait3A_167 : memref<1x80xi32, #tpu.memory_space<vmem>> -> memref<80xi32, #tpu.memory_space<vmem>>
        %dma_wait3A_169 = arith.constant 0 : i32
        %dma_wait3A_170 = arith.constant 0 : i32
        %dma_wait3A_171 = tpu.memref_slice %arg2[%dma_wait3A_169, %dma_wait3A_170] : memref<10000x128xf32, #tpu.memory_space<hbm>> -> memref<10000x128xf32, #tpu.memory_space<hbm>>
        tpu.wait_indirect_dma semaphore(%arg14 : memref<!tpu.dma_semaphore, #tpu.memory_space<semaphore_mem>>) src(%dma_wait3A_171 : memref<10000x128xf32, #tpu.memory_space<hbm>>) dst(%arg10 : memref<80x128xf32, #tpu.memory_space<vmem>>)
        %dma_start3A_172 = arith.constant 1 : i32
        %dma_start3A_173 = arith.constant 0 : i32
        %dma_start3A_174 = tpu.memref_slice %arg6[%dma_start3A_172, %dma_start3A_173] : memref<8x80xi32, #tpu.memory_space<vmem>> -> memref<1x80xi32, #tpu.memory_space<vmem>>
        %dma_start3A_175 = tpu.memref_squeeze %dma_start3A_174 : memref<1x80xi32, #tpu.memory_space<vmem>> -> memref<80xi32, #tpu.memory_space<vmem>>
        %dma_start3A_176 = arith.constant 0 : i32
        %dma_start3A_177 = arith.constant 0 : i32
        %dma_start3A_178 = tpu.memref_slice %arg2[%dma_start3A_176, %dma_start3A_177] : memref<10000x128xf32, #tpu.memory_space<hbm>> -> memref<10000x128xf32, #tpu.memory_space<hbm>>
        tpu.enqueue_indirect_dma source(%dma_start3A_178 : memref<10000x128xf32, #tpu.memory_space<hbm>>) target(%arg11 : memref<80x128xf32, #tpu.memory_space<vmem>>) offsets(%dma_start3A_175 : memref<80xi32, #tpu.memory_space<vmem>>) semaphore(%arg15 : memref<!tpu.dma_semaphore, #tpu.memory_space<semaphore_mem>>)
        %run_scoped3A_179 = arith.constant 0 : i32
        "tpu.region"() ({
          %run_scoped3A_437 = tpu.sem_alloc : memref<!tpu.dma_semaphore, #tpu.memory_space<semaphore_mem>>
          %dma_start3A_438 = arith.constant 0 : i32
          %dma_start3A_439 = tpu.memref_slice %arg7[%run_scoped3A_179, %dma_start3A_438] : memref<8x80xi32, #tpu.memory_space<vmem>> -> memref<1x80xi32, #tpu.memory_space<vmem>>
          %dma_start3A_440 = tpu.memref_squeeze %dma_start3A_439 : memref<1x80xi32, #tpu.memory_space<vmem>> -> memref<80xi32, #tpu.memory_space<vmem>>
          %dma_start3A_441 = arith.constant 0 : i32
          %dma_start3A_442 = arith.constant 0 : i32
          %dma_start3A_443 = tpu.memref_slice %arg13[%dma_start3A_441, %dma_start3A_442] : memref<10000x128xf32, #tpu.memory_space<vmem_shared>> -> memref<10000x128xf32, #tpu.memory_space<vmem_shared>>
          tpu.enqueue_indirect_dma source(%arg10 : memref<80x128xf32, #tpu.memory_space<vmem>>) target(%dma_start3A_443 : memref<10000x128xf32, #tpu.memory_space<vmem_shared>>) offsets(%dma_start3A_440 : memref<80xi32, #tpu.memory_space<vmem>>) semaphore(%run_scoped3A_437 : memref<!tpu.dma_semaphore, #tpu.memory_space<semaphore_mem>>) {add = true}
          %dma_wait3A_444 = arith.constant 0 : i32
          %dma_wait3A_445 = tpu.memref_slice %arg7[%run_scoped3A_179, %dma_wait3A_444] : memref<8x80xi32, #tpu.memory_space<vmem>> -> memref<1x80xi32, #tpu.memory_space<vmem>>
          %dma_wait3A_446 = tpu.memref_squeeze %dma_wait3A_445 : memref<1x80xi32, #tpu.memory_space<vmem>> -> memref<80xi32, #tpu.memory_space<vmem>>
          %dma_wait3A_447 = arith.constant 0 : i32
          %dma_wait3A_448 = arith.constant 0 : i32
          %dma_wait3A_449 = tpu.memref_slice %arg13[%dma_wait3A_447, %dma_wait3A_448] : memref<10000x128xf32, #tpu.memory_space<vmem_shared>> -> memref<10000x128xf32, #tpu.memory_space<vmem_shared>>
          tpu.wait_indirect_dma semaphore(%run_scoped3A_437 : memref<!tpu.dma_semaphore, #tpu.memory_space<semaphore_mem>>) src(%arg10 : memref<80x128xf32, #tpu.memory_space<vmem>>) dst(%dma_wait3A_449 : memref<10000x128xf32, #tpu.memory_space<vmem_shared>>)
          tpu.yield
        }) : () -> ()
        %get3A = arith.constant 0 : i32
        %get3A_180 = arith.index_cast %get3A : i32 to index
        %get3A_181 = arith.constant 0 : index
        %get3A_182 = tpu.vector_load %arg7[%get3A_180, %get3A_181] {strides = array<i32>} : memref<8x80xi32, #tpu.memory_space<vmem>>, vector<16xi32>,
        tpu.vector_store_idx %arg12[%get3A_182], %broadcast_in_dim3A_34 {add = true} : memref<10000xf32, #tpu.memory_space<vmem>>[vector<16xi32>], vector<16xf32>,
        %get3A_183 = arith.constant 0 : i32
        %get3A_184 = arith.index_cast %get3A_183 : i32 to index
        %get3A_185 = arith.constant 16 : index
        %get3A_186 = tpu.vector_load %arg7[%get3A_184, %get3A_185] {strides = array<i32>} : memref<8x80xi32, #tpu.memory_space<vmem>>, vector<16xi32>,
        tpu.vector_store_idx %arg12[%get3A_186], %broadcast_in_dim3A_34 {add = true} : memref<10000xf32, #tpu.memory_space<vmem>>[vector<16xi32>], vector<16xf32>,
        %get3A_187 = arith.constant 0 : i32
        %get3A_188 = arith.index_cast %get3A_187 : i32 to index
        %get3A_189 = arith.constant 32 : index
        %get3A_190 = tpu.vector_load %arg7[%get3A_188, %get3A_189] {strides = array<i32>} : memref<8x80xi32, #tpu.memory_space<vmem>>, vector<16xi32>,
        tpu.vector_store_idx %arg12[%get3A_190], %broadcast_in_dim3A_34 {add = true} : memref<10000xf32, #tpu.memory_space<vmem>>[vector<16xi32>], vector<16xf32>,
        %get3A_191 = arith.constant 0 : i32
        %get3A_192 = arith.index_cast %get3A_191 : i32 to index
        %get3A_193 = arith.constant 48 : index
        %get3A_194 = tpu.vector_load %arg7[%get3A_192, %get3A_193] {strides = array<i32>} : memref<8x80xi32, #tpu.memory_space<vmem>>, vector<16xi32>,
        tpu.vector_store_idx %arg12[%get3A_194], %broadcast_in_dim3A_34 {add = true} : memref<10000xf32, #tpu.memory_space<vmem>>[vector<16xi32>], vector<16xf32>,
        %get3A_195 = arith.constant 0 : i32
        %get3A_196 = arith.index_cast %get3A_195 : i32 to index
        %get3A_197 = arith.constant 64 : index
        %get3A_198 = tpu.vector_load %arg7[%get3A_196, %get3A_197] {strides = array<i32>} : memref<8x80xi32, #tpu.memory_space<vmem>>, vector<16xi32>,
        tpu.vector_store_idx %arg12[%get3A_198], %broadcast_in_dim3A_34 {add = true} : memref<10000xf32, #tpu.memory_space<vmem>>[vector<16xi32>], vector<16xf32>,
        %dma_wait3A_199 = arith.constant 1 : i32
        %dma_wait3A_200 = arith.constant 0 : i32
        %dma_wait3A_201 = tpu.memref_slice %arg6[%dma_wait3A_199, %dma_wait3A_200] : memref<8x80xi32, #tpu.memory_space<vmem>> -> memref<1x80xi32, #tpu.memory_space<vmem>>
        %dma_wait3A_202 = tpu.memref_squeeze %dma_wait3A_201 : memref<1x80xi32, #tpu.memory_space<vmem>> -> memref<80xi32, #tpu.memory_space<vmem>>
        %dma_wait3A_203 = arith.constant 0 : i32
        %dma_wait3A_204 = arith.constant 0 : i32
        %dma_wait3A_205 = tpu.memref_slice %arg2[%dma_wait3A_203, %dma_wait3A_204] : memref<10000x128xf32, #tpu.memory_space<hbm>> -> memref<10000x128xf32, #tpu.memory_space<hbm>>
        tpu.wait_indirect_dma semaphore(%arg15 : memref<!tpu.dma_semaphore, #tpu.memory_space<semaphore_mem>>) src(%dma_wait3A_205 : memref<10000x128xf32, #tpu.memory_space<hbm>>) dst(%arg11 : memref<80x128xf32, #tpu.memory_space<vmem>>)
        %dma_start3A_206 = arith.constant 2 : i32
        %dma_start3A_207 = arith.constant 0 : i32
        %dma_start3A_208 = tpu.memref_slice %arg6[%dma_start3A_206, %dma_start3A_207] : memref<8x80xi32, #tpu.memory_space<vmem>> -> memref<1x80xi32, #tpu.memory_space<vmem>>
        %dma_start3A_209 = tpu.memref_squeeze %dma_start3A_208 : memref<1x80xi32, #tpu.memory_space<vmem>> -> memref<80xi32, #tpu.memory_space<vmem>>
        %dma_start3A_210 = arith.constant 0 : i32
        %dma_start3A_211 = arith.constant 0 : i32
        %dma_start3A_212 = tpu.memref_slice %arg2[%dma_start3A_210, %dma_start3A_211] : memref<10000x128xf32, #tpu.memory_space<hbm>> -> memref<10000x128xf32, #tpu.memory_space<hbm>>
        tpu.enqueue_indirect_dma source(%dma_start3A_212 : memref<10000x128xf32, #tpu.memory_space<hbm>>) target(%arg10 : memref<80x128xf32, #tpu.memory_space<vmem>>) offsets(%dma_start3A_209 : memref<80xi32, #tpu.memory_space<vmem>>) semaphore(%arg14 : memref<!tpu.dma_semaphore, #tpu.memory_space<semaphore_mem>>)
        %run_scoped3A_213 = arith.constant 1 : i32
        "tpu.region"() ({
          %run_scoped3A_437 = tpu.sem_alloc : memref<!tpu.dma_semaphore, #tpu.memory_space<semaphore_mem>>
          %dma_start3A_438 = arith.constant 0 : i32
          %dma_start3A_439 = tpu.memref_slice %arg7[%run_scoped3A_213, %dma_start3A_438] : memref<8x80xi32, #tpu.memory_space<vmem>> -> memref<1x80xi32, #tpu.memory_space<vmem>>
          %dma_start3A_440 = tpu.memref_squeeze %dma_start3A_439 : memref<1x80xi32, #tpu.memory_space<vmem>> -> memref<80xi32, #tpu.memory_space<vmem>>
          %dma_start3A_441 = arith.constant 0 : i32
          %dma_start3A_442 = arith.constant 0 : i32
          %dma_start3A_443 = tpu.memref_slice %arg13[%dma_start3A_441, %dma_start3A_442] : memref<10000x128xf32, #tpu.memory_space<vmem_shared>> -> memref<10000x128xf32, #tpu.memory_space<vmem_shared>>
          tpu.enqueue_indirect_dma source(%arg11 : memref<80x128xf32, #tpu.memory_space<vmem>>) target(%dma_start3A_443 : memref<10000x128xf32, #tpu.memory_space<vmem_shared>>) offsets(%dma_start3A_440 : memref<80xi32, #tpu.memory_space<vmem>>) semaphore(%run_scoped3A_437 : memref<!tpu.dma_semaphore, #tpu.memory_space<semaphore_mem>>) {add = true}
          %dma_wait3A_444 = arith.constant 0 : i32
          %dma_wait3A_445 = tpu.memref_slice %arg7[%run_scoped3A_213, %dma_wait3A_444] : memref<8x80xi32, #tpu.memory_space<vmem>> -> memref<1x80xi32, #tpu.memory_space<vmem>>
          %dma_wait3A_446 = tpu.memref_squeeze %dma_wait3A_445 : memref<1x80xi32, #tpu.memory_space<vmem>> -> memref<80xi32, #tpu.memory_space<vmem>>
          %dma_wait3A_447 = arith.constant 0 : i32
          %dma_wait3A_448 = arith.constant 0 : i32
          %dma_wait3A_449 = tpu.memref_slice %arg13[%dma_wait3A_447, %dma_wait3A_448] : memref<10000x128xf32, #tpu.memory_space<vmem_shared>> -> memref<10000x128xf32, #tpu.memory_space<vmem_shared>>
          tpu.wait_indirect_dma semaphore(%run_scoped3A_437 : memref<!tpu.dma_semaphore, #tpu.memory_space<semaphore_mem>>) src(%arg11 : memref<80x128xf32, #tpu.memory_space<vmem>>) dst(%dma_wait3A_449 : memref<10000x128xf32, #tpu.memory_space<vmem_shared>>)
          tpu.yield
        }) : () -> ()
        %get3A_214 = arith.constant 1 : i32
        %get3A_215 = arith.index_cast %get3A_214 : i32 to index
        %get3A_216 = arith.constant 0 : index
        %get3A_217 = tpu.vector_load %arg7[%get3A_215, %get3A_216] {strides = array<i32>} : memref<8x80xi32, #tpu.memory_space<vmem>>, vector<16xi32>,
        tpu.vector_store_idx %arg12[%get3A_217], %broadcast_in_dim3A_34 {add = true} : memref<10000xf32, #tpu.memory_space<vmem>>[vector<16xi32>], vector<16xf32>,
        %get3A_218 = arith.constant 1 : i32
        %get3A_219 = arith.index_cast %get3A_218 : i32 to index
        %get3A_220 = arith.constant 16 : index
        %get3A_221 = tpu.vector_load %arg7[%get3A_219, %get3A_220] {strides = array<i32>} : memref<8x80xi32, #tpu.memory_space<vmem>>, vector<16xi32>,
        tpu.vector_store_idx %arg12[%get3A_221], %broadcast_in_dim3A_34 {add = true} : memref<10000xf32, #tpu.memory_space<vmem>>[vector<16xi32>], vector<16xf32>,
        %get3A_222 = arith.constant 1 : i32
        %get3A_223 = arith.index_cast %get3A_222 : i32 to index
        %get3A_224 = arith.constant 32 : index
        %get3A_225 = tpu.vector_load %arg7[%get3A_223, %get3A_224] {strides = array<i32>} : memref<8x80xi32, #tpu.memory_space<vmem>>, vector<16xi32>,
        tpu.vector_store_idx %arg12[%get3A_225], %broadcast_in_dim3A_34 {add = true} : memref<10000xf32, #tpu.memory_space<vmem>>[vector<16xi32>], vector<16xf32>,
        %get3A_226 = arith.constant 1 : i32
        %get3A_227 = arith.index_cast %get3A_226 : i32 to index
        %get3A_228 = arith.constant 48 : index
        %get3A_229 = tpu.vector_load %arg7[%get3A_227, %get3A_228] {strides = array<i32>} : memref<8x80xi32, #tpu.memory_space<vmem>>, vector<16xi32>,
        tpu.vector_store_idx %arg12[%get3A_229], %broadcast_in_dim3A_34 {add = true} : memref<10000xf32, #tpu.memory_space<vmem>>[vector<16xi32>], vector<16xf32>,
        %get3A_230 = arith.constant 1 : i32
        %get3A_231 = arith.index_cast %get3A_230 : i32 to index
        %get3A_232 = arith.constant 64 : index
        %get3A_233 = tpu.vector_load %arg7[%get3A_231, %get3A_232] {strides = array<i32>} : memref<8x80xi32, #tpu.memory_space<vmem>>, vector<16xi32>,
        tpu.vector_store_idx %arg12[%get3A_233], %broadcast_in_dim3A_34 {add = true} : memref<10000xf32, #tpu.memory_space<vmem>>[vector<16xi32>], vector<16xf32>,
        %dma_wait3A_234 = arith.constant 2 : i32
        %dma_wait3A_235 = arith.constant 0 : i32
        %dma_wait3A_236 = tpu.memref_slice %arg6[%dma_wait3A_234, %dma_wait3A_235] : memref<8x80xi32, #tpu.memory_space<vmem>> -> memref<1x80xi32, #tpu.memory_space<vmem>>
        %dma_wait3A_237 = tpu.memref_squeeze %dma_wait3A_236 : memref<1x80xi32, #tpu.memory_space<vmem>> -> memref<80xi32, #tpu.memory_space<vmem>>
        %dma_wait3A_238 = arith.constant 0 : i32
        %dma_wait3A_239 = arith.constant 0 : i32
        %dma_wait3A_240 = tpu.memref_slice %arg2[%dma_wait3A_238, %dma_wait3A_239] : memref<10000x128xf32, #tpu.memory_space<hbm>> -> memref<10000x128xf32, #tpu.memory_space<hbm>>
        tpu.wait_indirect_dma semaphore(%arg14 : memref<!tpu.dma_semaphore, #tpu.memory_space<semaphore_mem>>) src(%dma_wait3A_240 : memref<10000x128xf32, #tpu.memory_space<hbm>>) dst(%arg10 : memref<80x128xf32, #tpu.memory_space<vmem>>)
        %dma_start3A_241 = arith.constant 3 : i32
        %dma_start3A_242 = arith.constant 0 : i32
        %dma_start3A_243 = tpu.memref_slice %arg6[%dma_start3A_241, %dma_start3A_242] : memref<8x80xi32, #tpu.memory_space<vmem>> -> memref<1x80xi32, #tpu.memory_space<vmem>>
        %dma_start3A_244 = tpu.memref_squeeze %dma_start3A_243 : memref<1x80xi32, #tpu.memory_space<vmem>> -> memref<80xi32, #tpu.memory_space<vmem>>
        %dma_start3A_245 = arith.constant 0 : i32
        %dma_start3A_246 = arith.constant 0 : i32
        %dma_start3A_247 = tpu.memref_slice %arg2[%dma_start3A_245, %dma_start3A_246] : memref<10000x128xf32, #tpu.memory_space<hbm>> -> memref<10000x128xf32, #tpu.memory_space<hbm>>
        tpu.enqueue_indirect_dma source(%dma_start3A_247 : memref<10000x128xf32, #tpu.memory_space<hbm>>) target(%arg11 : memref<80x128xf32, #tpu.memory_space<vmem>>) offsets(%dma_start3A_244 : memref<80xi32, #tpu.memory_space<vmem>>) semaphore(%arg15 : memref<!tpu.dma_semaphore, #tpu.memory_space<semaphore_mem>>)
        %run_scoped3A_248 = arith.constant 2 : i32
        "tpu.region"() ({
          %run_scoped3A_437 = tpu.sem_alloc : memref<!tpu.dma_semaphore, #tpu.memory_space<semaphore_mem>>
          %dma_start3A_438 = arith.constant 0 : i32
          %dma_start3A_439 = tpu.memref_slice %arg7[%run_scoped3A_248, %dma_start3A_438] : memref<8x80xi32, #tpu.memory_space<vmem>> -> memref<1x80xi32, #tpu.memory_space<vmem>>
          %dma_start3A_440 = tpu.memref_squeeze %dma_start3A_439 : memref<1x80xi32, #tpu.memory_space<vmem>> -> memref<80xi32, #tpu.memory_space<vmem>>
          %dma_start3A_441 = arith.constant 0 : i32
          %dma_start3A_442 = arith.constant 0 : i32
          %dma_start3A_443 = tpu.memref_slice %arg13[%dma_start3A_441, %dma_start3A_442] : memref<10000x128xf32, #tpu.memory_space<vmem_shared>> -> memref<10000x128xf32, #tpu.memory_space<vmem_shared>>
          tpu.enqueue_indirect_dma source(%arg10 : memref<80x128xf32, #tpu.memory_space<vmem>>) target(%dma_start3A_443 : memref<10000x128xf32, #tpu.memory_space<vmem_shared>>) offsets(%dma_start3A_440 : memref<80xi32, #tpu.memory_space<vmem>>) semaphore(%run_scoped3A_437 : memref<!tpu.dma_semaphore, #tpu.memory_space<semaphore_mem>>) {add = true}
          %dma_wait3A_444 = arith.constant 0 : i32
          %dma_wait3A_445 = tpu.memref_slice %arg7[%run_scoped3A_248, %dma_wait3A_444] : memref<8x80xi32, #tpu.memory_space<vmem>> -> memref<1x80xi32, #tpu.memory_space<vmem>>
          %dma_wait3A_446 = tpu.memref_squeeze %dma_wait3A_445 : memref<1x80xi32, #tpu.memory_space<vmem>> -> memref<80xi32, #tpu.memory_space<vmem>>
          %dma_wait3A_447 = arith.constant 0 : i32
          %dma_wait3A_448 = arith.constant 0 : i32
          %dma_wait3A_449 = tpu.memref_slice %arg13[%dma_wait3A_447, %dma_wait3A_448] : memref<10000x128xf32, #tpu.memory_space<vmem_shared>> -> memref<10000x128xf32, #tpu.memory_space<vmem_shared>>
          tpu.wait_indirect_dma semaphore(%run_scoped3A_437 : memref<!tpu.dma_semaphore, #tpu.memory_space<semaphore_mem>>) src(%arg10 : memref<80x128xf32, #tpu.memory_space<vmem>>) dst(%dma_wait3A_449 : memref<10000x128xf32, #tpu.memory_space<vmem_shared>>)
          tpu.yield
        }) : () -> ()
        %get3A_249 = arith.constant 2 : i32
        %get3A_250 = arith.index_cast %get3A_249 : i32 to index
        %get3A_251 = arith.constant 0 : index
        %get3A_252 = tpu.vector_load %arg7[%get3A_250, %get3A_251] {strides = array<i32>} : memref<8x80xi32, #tpu.memory_space<vmem>>, vector<16xi32>,
        tpu.vector_store_idx %arg12[%get3A_252], %broadcast_in_dim3A_34 {add = true} : memref<10000xf32, #tpu.memory_space<vmem>>[vector<16xi32>], vector<16xf32>,
        %get3A_253 = arith.constant 2 : i32
        %get3A_254 = arith.index_cast %get3A_253 : i32 to index
        %get3A_255 = arith.constant 16 : index
        %get3A_256 = tpu.vector_load %arg7[%get3A_254, %get3A_255] {strides = array<i32>} : memref<8x80xi32, #tpu.memory_space<vmem>>, vector<16xi32>,
        tpu.vector_store_idx %arg12[%get3A_256], %broadcast_in_dim3A_34 {add = true} : memref<10000xf32, #tpu.memory_space<vmem>>[vector<16xi32>], vector<16xf32>,
        %get3A_257 = arith.constant 2 : i32
        %get3A_258 = arith.index_cast %get3A_257 : i32 to index
        %get3A_259 = arith.constant 32 : index
        %get3A_260 = tpu.vector_load %arg7[%get3A_258, %get3A_259] {strides = array<i32>} : memref<8x80xi32, #tpu.memory_space<vmem>>, vector<16xi32>,
        tpu.vector_store_idx %arg12[%get3A_260], %broadcast_in_dim3A_34 {add = true} : memref<10000xf32, #tpu.memory_space<vmem>>[vector<16xi32>], vector<16xf32>,
        %get3A_261 = arith.constant 2 : i32
        %get3A_262 = arith.index_cast %get3A_261 : i32 to index
        %get3A_263 = arith.constant 48 : index
        %get3A_264 = tpu.vector_load %arg7[%get3A_262, %get3A_263] {strides = array<i32>} : memref<8x80xi32, #tpu.memory_space<vmem>>, vector<16xi32>,
        tpu.vector_store_idx %arg12[%get3A_264], %broadcast_in_dim3A_34 {add = true} : memref<10000xf32, #tpu.memory_space<vmem>>[vector<16xi32>], vector<16xf32>,
        %get3A_265 = arith.constant 2 : i32
        %get3A_266 = arith.index_cast %get3A_265 : i32 to index
        %get3A_267 = arith.constant 64 : index
        %get3A_268 = tpu.vector_load %arg7[%get3A_266, %get3A_267] {strides = array<i32>} : memref<8x80xi32, #tpu.memory_space<vmem>>, vector<16xi32>,
        tpu.vector_store_idx %arg12[%get3A_268], %broadcast_in_dim3A_34 {add = true} : memref<10000xf32, #tpu.memory_space<vmem>>[vector<16xi32>], vector<16xf32>,
        %dma_wait3A_269 = arith.constant 3 : i32
        %dma_wait3A_270 = arith.constant 0 : i32
        %dma_wait3A_271 = tpu.memref_slice %arg6[%dma_wait3A_269, %dma_wait3A_270] : memref<8x80xi32, #tpu.memory_space<vmem>> -> memref<1x80xi32, #tpu.memory_space<vmem>>
        %dma_wait3A_272 = tpu.memref_squeeze %dma_wait3A_271 : memref<1x80xi32, #tpu.memory_space<vmem>> -> memref<80xi32, #tpu.memory_space<vmem>>
        %dma_wait3A_273 = arith.constant 0 : i32
        %dma_wait3A_274 = arith.constant 0 : i32
        %dma_wait3A_275 = tpu.memref_slice %arg2[%dma_wait3A_273, %dma_wait3A_274] : memref<10000x128xf32, #tpu.memory_space<hbm>> -> memref<10000x128xf32, #tpu.memory_space<hbm>>
        tpu.wait_indirect_dma semaphore(%arg15 : memref<!tpu.dma_semaphore, #tpu.memory_space<semaphore_mem>>) src(%dma_wait3A_275 : memref<10000x128xf32, #tpu.memory_space<hbm>>) dst(%arg11 : memref<80x128xf32, #tpu.memory_space<vmem>>)
        %dma_start3A_276 = arith.constant 4 : i32
        %dma_start3A_277 = arith.constant 0 : i32
        %dma_start3A_278 = tpu.memref_slice %arg6[%dma_start3A_276, %dma_start3A_277] : memref<8x80xi32, #tpu.memory_space<vmem>> -> memref<1x80xi32, #tpu.memory_space<vmem>>
        %dma_start3A_279 = tpu.memref_squeeze %dma_start3A_278 : memref<1x80xi32, #tpu.memory_space<vmem>> -> memref<80xi32, #tpu.memory_space<vmem>>
        %dma_start3A_280 = arith.constant 0 : i32
        %dma_start3A_281 = arith.constant 0 : i32
        %dma_start3A_282 = tpu.memref_slice %arg2[%dma_start3A_280, %dma_start3A_281] : memref<10000x128xf32, #tpu.memory_space<hbm>> -> memref<10000x128xf32, #tpu.memory_space<hbm>>
        tpu.enqueue_indirect_dma source(%dma_start3A_282 : memref<10000x128xf32, #tpu.memory_space<hbm>>) target(%arg10 : memref<80x128xf32, #tpu.memory_space<vmem>>) offsets(%dma_start3A_279 : memref<80xi32, #tpu.memory_space<vmem>>) semaphore(%arg14 : memref<!tpu.dma_semaphore, #tpu.memory_space<semaphore_mem>>)
        %run_scoped3A_283 = arith.constant 3 : i32
        "tpu.region"() ({
          %run_scoped3A_437 = tpu.sem_alloc : memref<!tpu.dma_semaphore, #tpu.memory_space<semaphore_mem>>
          %dma_start3A_438 = arith.constant 0 : i32
          %dma_start3A_439 = tpu.memref_slice %arg7[%run_scoped3A_283, %dma_start3A_438] : memref<8x80xi32, #tpu.memory_space<vmem>> -> memref<1x80xi32, #tpu.memory_space<vmem>>
          %dma_start3A_440 = tpu.memref_squeeze %dma_start3A_439 : memref<1x80xi32, #tpu.memory_space<vmem>> -> memref<80xi32, #tpu.memory_space<vmem>>
          %dma_start3A_441 = arith.constant 0 : i32
          %dma_start3A_442 = arith.constant 0 : i32
          %dma_start3A_443 = tpu.memref_slice %arg13[%dma_start3A_441, %dma_start3A_442] : memref<10000x128xf32, #tpu.memory_space<vmem_shared>> -> memref<10000x128xf32, #tpu.memory_space<vmem_shared>>
          tpu.enqueue_indirect_dma source(%arg11 : memref<80x128xf32, #tpu.memory_space<vmem>>) target(%dma_start3A_443 : memref<10000x128xf32, #tpu.memory_space<vmem_shared>>) offsets(%dma_start3A_440 : memref<80xi32, #tpu.memory_space<vmem>>) semaphore(%run_scoped3A_437 : memref<!tpu.dma_semaphore, #tpu.memory_space<semaphore_mem>>) {add = true}
          %dma_wait3A_444 = arith.constant 0 : i32
          %dma_wait3A_445 = tpu.memref_slice %arg7[%run_scoped3A_283, %dma_wait3A_444] : memref<8x80xi32, #tpu.memory_space<vmem>> -> memref<1x80xi32, #tpu.memory_space<vmem>>
          %dma_wait3A_446 = tpu.memref_squeeze %dma_wait3A_445 : memref<1x80xi32, #tpu.memory_space<vmem>> -> memref<80xi32, #tpu.memory_space<vmem>>
          %dma_wait3A_447 = arith.constant 0 : i32
          %dma_wait3A_448 = arith.constant 0 : i32
          %dma_wait3A_449 = tpu.memref_slice %arg13[%dma_wait3A_447, %dma_wait3A_448] : memref<10000x128xf32, #tpu.memory_space<vmem_shared>> -> memref<10000x128xf32, #tpu.memory_space<vmem_shared>>
          tpu.wait_indirect_dma semaphore(%run_scoped3A_437 : memref<!tpu.dma_semaphore, #tpu.memory_space<semaphore_mem>>) src(%arg11 : memref<80x128xf32, #tpu.memory_space<vmem>>) dst(%dma_wait3A_449 : memref<10000x128xf32, #tpu.memory_space<vmem_shared>>)
          tpu.yield
        }) : () -> ()
        %get3A_284 = arith.constant 3 : i32
        %get3A_285 = arith.index_cast %get3A_284 : i32 to index
        %get3A_286 = arith.constant 0 : index
        %get3A_287 = tpu.vector_load %arg7[%get3A_285, %get3A_286] {strides = array<i32>} : memref<8x80xi32, #tpu.memory_space<vmem>>, vector<16xi32>,
        tpu.vector_store_idx %arg12[%get3A_287], %broadcast_in_dim3A_34 {add = true} : memref<10000xf32, #tpu.memory_space<vmem>>[vector<16xi32>], vector<16xf32>,
        %get3A_288 = arith.constant 3 : i32
        %get3A_289 = arith.index_cast %get3A_288 : i32 to index
        %get3A_290 = arith.constant 16 : index
        %get3A_291 = tpu.vector_load %arg7[%get3A_289, %get3A_290] {strides = array<i32>} : memref<8x80xi32, #tpu.memory_space<vmem>>, vector<16xi32>,
        tpu.vector_store_idx %arg12[%get3A_291], %broadcast_in_dim3A_34 {add = true} : memref<10000xf32, #tpu.memory_space<vmem>>[vector<16xi32>], vector<16xf32>,
        %get3A_292 = arith.constant 3 : i32
        %get3A_293 = arith.index_cast %get3A_292 : i32 to index
        %get3A_294 = arith.constant 32 : index
        %get3A_295 = tpu.vector_load %arg7[%get3A_293, %get3A_294] {strides = array<i32>} : memref<8x80xi32, #tpu.memory_space<vmem>>, vector<16xi32>,
        tpu.vector_store_idx %arg12[%get3A_295], %broadcast_in_dim3A_34 {add = true} : memref<10000xf32, #tpu.memory_space<vmem>>[vector<16xi32>], vector<16xf32>,
        %get3A_296 = arith.constant 3 : i32
        %get3A_297 = arith.index_cast %get3A_296 : i32 to index
        %get3A_298 = arith.constant 48 : index
        %get3A_299 = tpu.vector_load %arg7[%get3A_297, %get3A_298] {strides = array<i32>} : memref<8x80xi32, #tpu.memory_space<vmem>>, vector<16xi32>,
        tpu.vector_store_idx %arg12[%get3A_299], %broadcast_in_dim3A_34 {add = true} : memref<10000xf32, #tpu.memory_space<vmem>>[vector<16xi32>], vector<16xf32>,
        %get3A_300 = arith.constant 3 : i32
        %get3A_301 = arith.index_cast %get3A_300 : i32 to index
        %get3A_302 = arith.constant 64 : index
        %get3A_303 = tpu.vector_load %arg7[%get3A_301, %get3A_302] {strides = array<i32>} : memref<8x80xi32, #tpu.memory_space<vmem>>, vector<16xi32>,
        tpu.vector_store_idx %arg12[%get3A_303], %broadcast_in_dim3A_34 {add = true} : memref<10000xf32, #tpu.memory_space<vmem>>[vector<16xi32>], vector<16xf32>,
        %dma_wait3A_304 = arith.constant 4 : i32
        %dma_wait3A_305 = arith.constant 0 : i32
        %dma_wait3A_306 = tpu.memref_slice %arg6[%dma_wait3A_304, %dma_wait3A_305] : memref<8x80xi32, #tpu.memory_space<vmem>> -> memref<1x80xi32, #tpu.memory_space<vmem>>
        %dma_wait3A_307 = tpu.memref_squeeze %dma_wait3A_306 : memref<1x80xi32, #tpu.memory_space<vmem>> -> memref<80xi32, #tpu.memory_space<vmem>>
        %dma_wait3A_308 = arith.constant 0 : i32
        %dma_wait3A_309 = arith.constant 0 : i32
        %dma_wait3A_310 = tpu.memref_slice %arg2[%dma_wait3A_308, %dma_wait3A_309] : memref<10000x128xf32, #tpu.memory_space<hbm>> -> memref<10000x128xf32, #tpu.memory_space<hbm>>
        tpu.wait_indirect_dma semaphore(%arg14 : memref<!tpu.dma_semaphore, #tpu.memory_space<semaphore_mem>>) src(%dma_wait3A_310 : memref<10000x128xf32, #tpu.memory_space<hbm>>) dst(%arg10 : memref<80x128xf32, #tpu.memory_space<vmem>>)
        %dma_start3A_311 = arith.constant 5 : i32
        %dma_start3A_312 = arith.constant 0 : i32
        %dma_start3A_313 = tpu.memref_slice %arg6[%dma_start3A_311, %dma_start3A_312] : memref<8x80xi32, #tpu.memory_space<vmem>> -> memref<1x80xi32, #tpu.memory_space<vmem>>
        %dma_start3A_314 = tpu.memref_squeeze %dma_start3A_313 : memref<1x80xi32, #tpu.memory_space<vmem>> -> memref<80xi32, #tpu.memory_space<vmem>>
        %dma_start3A_315 = arith.constant 0 : i32
        %dma_start3A_316 = arith.constant 0 : i32
        %dma_start3A_317 = tpu.memref_slice %arg2[%dma_start3A_315, %dma_start3A_316] : memref<10000x128xf32, #tpu.memory_space<hbm>> -> memref<10000x128xf32, #tpu.memory_space<hbm>>
        tpu.enqueue_indirect_dma source(%dma_start3A_317 : memref<10000x128xf32, #tpu.memory_space<hbm>>) target(%arg11 : memref<80x128xf32, #tpu.memory_space<vmem>>) offsets(%dma_start3A_314 : memref<80xi32, #tpu.memory_space<vmem>>) semaphore(%arg15 : memref<!tpu.dma_semaphore, #tpu.memory_space<semaphore_mem>>)
        %run_scoped3A_318 = arith.constant 4 : i32
        "tpu.region"() ({
          %run_scoped3A_437 = tpu.sem_alloc : memref<!tpu.dma_semaphore, #tpu.memory_space<semaphore_mem>>
          %dma_start3A_438 = arith.constant 0 : i32
          %dma_start3A_439 = tpu.memref_slice %arg7[%run_scoped3A_318, %dma_start3A_438] : memref<8x80xi32, #tpu.memory_space<vmem>> -> memref<1x80xi32, #tpu.memory_space<vmem>>
          %dma_start3A_440 = tpu.memref_squeeze %dma_start3A_439 : memref<1x80xi32, #tpu.memory_space<vmem>> -> memref<80xi32, #tpu.memory_space<vmem>>
          %dma_start3A_441 = arith.constant 0 : i32
          %dma_start3A_442 = arith.constant 0 : i32
          %dma_start3A_443 = tpu.memref_slice %arg13[%dma_start3A_441, %dma_start3A_442] : memref<10000x128xf32, #tpu.memory_space<vmem_shared>> -> memref<10000x128xf32, #tpu.memory_space<vmem_shared>>
          tpu.enqueue_indirect_dma source(%arg10 : memref<80x128xf32, #tpu.memory_space<vmem>>) target(%dma_start3A_443 : memref<10000x128xf32, #tpu.memory_space<vmem_shared>>) offsets(%dma_start3A_440 : memref<80xi32, #tpu.memory_space<vmem>>) semaphore(%run_scoped3A_437 : memref<!tpu.dma_semaphore, #tpu.memory_space<semaphore_mem>>) {add = true}
          %dma_wait3A_444 = arith.constant 0 : i32
          %dma_wait3A_445 = tpu.memref_slice %arg7[%run_scoped3A_318, %dma_wait3A_444] : memref<8x80xi32, #tpu.memory_space<vmem>> -> memref<1x80xi32, #tpu.memory_space<vmem>>
          %dma_wait3A_446 = tpu.memref_squeeze %dma_wait3A_445 : memref<1x80xi32, #tpu.memory_space<vmem>> -> memref<80xi32, #tpu.memory_space<vmem>>
          %dma_wait3A_447 = arith.constant 0 : i32
          %dma_wait3A_448 = arith.constant 0 : i32
          %dma_wait3A_449 = tpu.memref_slice %arg13[%dma_wait3A_447, %dma_wait3A_448] : memref<10000x128xf32, #tpu.memory_space<vmem_shared>> -> memref<10000x128xf32, #tpu.memory_space<vmem_shared>>
          tpu.wait_indirect_dma semaphore(%run_scoped3A_437 : memref<!tpu.dma_semaphore, #tpu.memory_space<semaphore_mem>>) src(%arg10 : memref<80x128xf32, #tpu.memory_space<vmem>>) dst(%dma_wait3A_449 : memref<10000x128xf32, #tpu.memory_space<vmem_shared>>)
          tpu.yield
        }) : () -> ()
        %get3A_319 = arith.constant 4 : i32
        %get3A_320 = arith.index_cast %get3A_319 : i32 to index
        %get3A_321 = arith.constant 0 : index
        %get3A_322 = tpu.vector_load %arg7[%get3A_320, %get3A_321] {strides = array<i32>} : memref<8x80xi32, #tpu.memory_space<vmem>>, vector<16xi32>,
        tpu.vector_store_idx %arg12[%get3A_322], %broadcast_in_dim3A_34 {add = true} : memref<10000xf32, #tpu.memory_space<vmem>>[vector<16xi32>], vector<16xf32>,
        %get3A_323 = arith.constant 4 : i32
        %get3A_324 = arith.index_cast %get3A_323 : i32 to index
        %get3A_325 = arith.constant 16 : index
        %get3A_326 = tpu.vector_load %arg7[%get3A_324, %get3A_325] {strides = array<i32>} : memref<8x80xi32, #tpu.memory_space<vmem>>, vector<16xi32>,
        tpu.vector_store_idx %arg12[%get3A_326], %broadcast_in_dim3A_34 {add = true} : memref<10000xf32, #tpu.memory_space<vmem>>[vector<16xi32>], vector<16xf32>,
        %get3A_327 = arith.constant 4 : i32
        %get3A_328 = arith.index_cast %get3A_327 : i32 to index
        %get3A_329 = arith.constant 32 : index
        %get3A_330 = tpu.vector_load %arg7[%get3A_328, %get3A_329] {strides = array<i32>} : memref<8x80xi32, #tpu.memory_space<vmem>>, vector<16xi32>,
        tpu.vector_store_idx %arg12[%get3A_330], %broadcast_in_dim3A_34 {add = true} : memref<10000xf32, #tpu.memory_space<vmem>>[vector<16xi32>], vector<16xf32>,
        %get3A_331 = arith.constant 4 : i32
        %get3A_332 = arith.index_cast %get3A_331 : i32 to index
        %get3A_333 = arith.constant 48 : index
        %get3A_334 = tpu.vector_load %arg7[%get3A_332, %get3A_333] {strides = array<i32>} : memref<8x80xi32, #tpu.memory_space<vmem>>, vector<16xi32>,
        tpu.vector_store_idx %arg12[%get3A_334], %broadcast_in_dim3A_34 {add = true} : memref<10000xf32, #tpu.memory_space<vmem>>[vector<16xi32>], vector<16xf32>,
        %get3A_335 = arith.constant 4 : i32
        %get3A_336 = arith.index_cast %get3A_335 : i32 to index
        %get3A_337 = arith.constant 64 : index
        %get3A_338 = tpu.vector_load %arg7[%get3A_336, %get3A_337] {strides = array<i32>} : memref<8x80xi32, #tpu.memory_space<vmem>>, vector<16xi32>,
        tpu.vector_store_idx %arg12[%get3A_338], %broadcast_in_dim3A_34 {add = true} : memref<10000xf32, #tpu.memory_space<vmem>>[vector<16xi32>], vector<16xf32>,
        %dma_wait3A_339 = arith.constant 5 : i32
        %dma_wait3A_340 = arith.constant 0 : i32
        %dma_wait3A_341 = tpu.memref_slice %arg6[%dma_wait3A_339, %dma_wait3A_340] : memref<8x80xi32, #tpu.memory_space<vmem>> -> memref<1x80xi32, #tpu.memory_space<vmem>>
        %dma_wait3A_342 = tpu.memref_squeeze %dma_wait3A_341 : memref<1x80xi32, #tpu.memory_space<vmem>> -> memref<80xi32, #tpu.memory_space<vmem>>
        %dma_wait3A_343 = arith.constant 0 : i32
        %dma_wait3A_344 = arith.constant 0 : i32
        %dma_wait3A_345 = tpu.memref_slice %arg2[%dma_wait3A_343, %dma_wait3A_344] : memref<10000x128xf32, #tpu.memory_space<hbm>> -> memref<10000x128xf32, #tpu.memory_space<hbm>>
        tpu.wait_indirect_dma semaphore(%arg15 : memref<!tpu.dma_semaphore, #tpu.memory_space<semaphore_mem>>) src(%dma_wait3A_345 : memref<10000x128xf32, #tpu.memory_space<hbm>>) dst(%arg11 : memref<80x128xf32, #tpu.memory_space<vmem>>)
        %dma_start3A_346 = arith.constant 6 : i32
        %dma_start3A_347 = arith.constant 0 : i32
        %dma_start3A_348 = tpu.memref_slice %arg6[%dma_start3A_346, %dma_start3A_347] : memref<8x80xi32, #tpu.memory_space<vmem>> -> memref<1x80xi32, #tpu.memory_space<vmem>>
        %dma_start3A_349 = tpu.memref_squeeze %dma_start3A_348 : memref<1x80xi32, #tpu.memory_space<vmem>> -> memref<80xi32, #tpu.memory_space<vmem>>
        %dma_start3A_350 = arith.constant 0 : i32
        %dma_start3A_351 = arith.constant 0 : i32
        %dma_start3A_352 = tpu.memref_slice %arg2[%dma_start3A_350, %dma_start3A_351] : memref<10000x128xf32, #tpu.memory_space<hbm>> -> memref<10000x128xf32, #tpu.memory_space<hbm>>
        tpu.enqueue_indirect_dma source(%dma_start3A_352 : memref<10000x128xf32, #tpu.memory_space<hbm>>) target(%arg10 : memref<80x128xf32, #tpu.memory_space<vmem>>) offsets(%dma_start3A_349 : memref<80xi32, #tpu.memory_space<vmem>>) semaphore(%arg14 : memref<!tpu.dma_semaphore, #tpu.memory_space<semaphore_mem>>)
        %run_scoped3A_353 = arith.constant 5 : i32
        "tpu.region"() ({
          %run_scoped3A_437 = tpu.sem_alloc : memref<!tpu.dma_semaphore, #tpu.memory_space<semaphore_mem>>
          %dma_start3A_438 = arith.constant 0 : i32
          %dma_start3A_439 = tpu.memref_slice %arg7[%run_scoped3A_353, %dma_start3A_438] : memref<8x80xi32, #tpu.memory_space<vmem>> -> memref<1x80xi32, #tpu.memory_space<vmem>>
          %dma_start3A_440 = tpu.memref_squeeze %dma_start3A_439 : memref<1x80xi32, #tpu.memory_space<vmem>> -> memref<80xi32, #tpu.memory_space<vmem>>
          %dma_start3A_441 = arith.constant 0 : i32
          %dma_start3A_442 = arith.constant 0 : i32
          %dma_start3A_443 = tpu.memref_slice %arg13[%dma_start3A_441, %dma_start3A_442] : memref<10000x128xf32, #tpu.memory_space<vmem_shared>> -> memref<10000x128xf32, #tpu.memory_space<vmem_shared>>
          tpu.enqueue_indirect_dma source(%arg11 : memref<80x128xf32, #tpu.memory_space<vmem>>) target(%dma_start3A_443 : memref<10000x128xf32, #tpu.memory_space<vmem_shared>>) offsets(%dma_start3A_440 : memref<80xi32, #tpu.memory_space<vmem>>) semaphore(%run_scoped3A_437 : memref<!tpu.dma_semaphore, #tpu.memory_space<semaphore_mem>>) {add = true}
          %dma_wait3A_444 = arith.constant 0 : i32
          %dma_wait3A_445 = tpu.memref_slice %arg7[%run_scoped3A_353, %dma_wait3A_444] : memref<8x80xi32, #tpu.memory_space<vmem>> -> memref<1x80xi32, #tpu.memory_space<vmem>>
          %dma_wait3A_446 = tpu.memref_squeeze %dma_wait3A_445 : memref<1x80xi32, #tpu.memory_space<vmem>> -> memref<80xi32, #tpu.memory_space<vmem>>
          %dma_wait3A_447 = arith.constant 0 : i32
          %dma_wait3A_448 = arith.constant 0 : i32
          %dma_wait3A_449 = tpu.memref_slice %arg13[%dma_wait3A_447, %dma_wait3A_448] : memref<10000x128xf32, #tpu.memory_space<vmem_shared>> -> memref<10000x128xf32, #tpu.memory_space<vmem_shared>>
          tpu.wait_indirect_dma semaphore(%run_scoped3A_437 : memref<!tpu.dma_semaphore, #tpu.memory_space<semaphore_mem>>) src(%arg11 : memref<80x128xf32, #tpu.memory_space<vmem>>) dst(%dma_wait3A_449 : memref<10000x128xf32, #tpu.memory_space<vmem_shared>>)
          tpu.yield
        }) : () -> ()
        %get3A_354 = arith.constant 5 : i32
        %get3A_355 = arith.index_cast %get3A_354 : i32 to index
        %get3A_356 = arith.constant 0 : index
        %get3A_357 = tpu.vector_load %arg7[%get3A_355, %get3A_356] {strides = array<i32>} : memref<8x80xi32, #tpu.memory_space<vmem>>, vector<16xi32>,
        tpu.vector_store_idx %arg12[%get3A_357], %broadcast_in_dim3A_34 {add = true} : memref<10000xf32, #tpu.memory_space<vmem>>[vector<16xi32>], vector<16xf32>,
        %get3A_358 = arith.constant 5 : i32
        %get3A_359 = arith.index_cast %get3A_358 : i32 to index
        %get3A_360 = arith.constant 16 : index
        %get3A_361 = tpu.vector_load %arg7[%get3A_359, %get3A_360] {strides = array<i32>} : memref<8x80xi32, #tpu.memory_space<vmem>>, vector<16xi32>,
        tpu.vector_store_idx %arg12[%get3A_361], %broadcast_in_dim3A_34 {add = true} : memref<10000xf32, #tpu.memory_space<vmem>>[vector<16xi32>], vector<16xf32>,
        %get3A_362 = arith.constant 5 : i32
        %get3A_363 = arith.index_cast %get3A_362 : i32 to index
        %get3A_364 = arith.constant 32 : index
        %get3A_365 = tpu.vector_load %arg7[%get3A_363, %get3A_364] {strides = array<i32>} : memref<8x80xi32, #tpu.memory_space<vmem>>, vector<16xi32>,
        tpu.vector_store_idx %arg12[%get3A_365], %broadcast_in_dim3A_34 {add = true} : memref<10000xf32, #tpu.memory_space<vmem>>[vector<16xi32>], vector<16xf32>,
        %get3A_366 = arith.constant 5 : i32
        %get3A_367 = arith.index_cast %get3A_366 : i32 to index
        %get3A_368 = arith.constant 48 : index
        %get3A_369 = tpu.vector_load %arg7[%get3A_367, %get3A_368] {strides = array<i32>} : memref<8x80xi32, #tpu.memory_space<vmem>>, vector<16xi32>,
        tpu.vector_store_idx %arg12[%get3A_369], %broadcast_in_dim3A_34 {add = true} : memref<10000xf32, #tpu.memory_space<vmem>>[vector<16xi32>], vector<16xf32>,
        %get3A_370 = arith.constant 5 : i32
        %get3A_371 = arith.index_cast %get3A_370 : i32 to index
        %get3A_372 = arith.constant 64 : index
        %get3A_373 = tpu.vector_load %arg7[%get3A_371, %get3A_372] {strides = array<i32>} : memref<8x80xi32, #tpu.memory_space<vmem>>, vector<16xi32>,
        tpu.vector_store_idx %arg12[%get3A_373], %broadcast_in_dim3A_34 {add = true} : memref<10000xf32, #tpu.memory_space<vmem>>[vector<16xi32>], vector<16xf32>,
        %dma_wait3A_374 = arith.constant 6 : i32
        %dma_wait3A_375 = arith.constant 0 : i32
        %dma_wait3A_376 = tpu.memref_slice %arg6[%dma_wait3A_374, %dma_wait3A_375] : memref<8x80xi32, #tpu.memory_space<vmem>> -> memref<1x80xi32, #tpu.memory_space<vmem>>
        %dma_wait3A_377 = tpu.memref_squeeze %dma_wait3A_376 : memref<1x80xi32, #tpu.memory_space<vmem>> -> memref<80xi32, #tpu.memory_space<vmem>>
        %dma_wait3A_378 = arith.constant 0 : i32
        %dma_wait3A_379 = arith.constant 0 : i32
        %dma_wait3A_380 = tpu.memref_slice %arg2[%dma_wait3A_378, %dma_wait3A_379] : memref<10000x128xf32, #tpu.memory_space<hbm>> -> memref<10000x128xf32, #tpu.memory_space<hbm>>
        tpu.wait_indirect_dma semaphore(%arg14 : memref<!tpu.dma_semaphore, #tpu.memory_space<semaphore_mem>>) src(%dma_wait3A_380 : memref<10000x128xf32, #tpu.memory_space<hbm>>) dst(%arg10 : memref<80x128xf32, #tpu.memory_space<vmem>>)
        %dma_start3A_381 = arith.constant 7 : i32
        %dma_start3A_382 = arith.constant 0 : i32
        %dma_start3A_383 = tpu.memref_slice %arg6[%dma_start3A_381, %dma_start3A_382] : memref<8x80xi32, #tpu.memory_space<vmem>> -> memref<1x80xi32, #tpu.memory_space<vmem>>
        %dma_start3A_384 = tpu.memref_squeeze %dma_start3A_383 : memref<1x80xi32, #tpu.memory_space<vmem>> -> memref<80xi32, #tpu.memory_space<vmem>>
        %dma_start3A_385 = arith.constant 0 : i32
        %dma_start3A_386 = arith.constant 0 : i32
        %dma_start3A_387 = tpu.memref_slice %arg2[%dma_start3A_385, %dma_start3A_386] : memref<10000x128xf32, #tpu.memory_space<hbm>> -> memref<10000x128xf32, #tpu.memory_space<hbm>>
        tpu.enqueue_indirect_dma source(%dma_start3A_387 : memref<10000x128xf32, #tpu.memory_space<hbm>>) target(%arg11 : memref<80x128xf32, #tpu.memory_space<vmem>>) offsets(%dma_start3A_384 : memref<80xi32, #tpu.memory_space<vmem>>) semaphore(%arg15 : memref<!tpu.dma_semaphore, #tpu.memory_space<semaphore_mem>>)
        %run_scoped3A_388 = arith.constant 6 : i32
        "tpu.region"() ({
          %run_scoped3A_437 = tpu.sem_alloc : memref<!tpu.dma_semaphore, #tpu.memory_space<semaphore_mem>>
          %dma_start3A_438 = arith.constant 0 : i32
          %dma_start3A_439 = tpu.memref_slice %arg7[%run_scoped3A_388, %dma_start3A_438] : memref<8x80xi32, #tpu.memory_space<vmem>> -> memref<1x80xi32, #tpu.memory_space<vmem>>
          %dma_start3A_440 = tpu.memref_squeeze %dma_start3A_439 : memref<1x80xi32, #tpu.memory_space<vmem>> -> memref<80xi32, #tpu.memory_space<vmem>>
          %dma_start3A_441 = arith.constant 0 : i32
          %dma_start3A_442 = arith.constant 0 : i32
          %dma_start3A_443 = tpu.memref_slice %arg13[%dma_start3A_441, %dma_start3A_442] : memref<10000x128xf32, #tpu.memory_space<vmem_shared>> -> memref<10000x128xf32, #tpu.memory_space<vmem_shared>>
          tpu.enqueue_indirect_dma source(%arg10 : memref<80x128xf32, #tpu.memory_space<vmem>>) target(%dma_start3A_443 : memref<10000x128xf32, #tpu.memory_space<vmem_shared>>) offsets(%dma_start3A_440 : memref<80xi32, #tpu.memory_space<vmem>>) semaphore(%run_scoped3A_437 : memref<!tpu.dma_semaphore, #tpu.memory_space<semaphore_mem>>) {add = true}
          %dma_wait3A_444 = arith.constant 0 : i32
          %dma_wait3A_445 = tpu.memref_slice %arg7[%run_scoped3A_388, %dma_wait3A_444] : memref<8x80xi32, #tpu.memory_space<vmem>> -> memref<1x80xi32, #tpu.memory_space<vmem>>
          %dma_wait3A_446 = tpu.memref_squeeze %dma_wait3A_445 : memref<1x80xi32, #tpu.memory_space<vmem>> -> memref<80xi32, #tpu.memory_space<vmem>>
          %dma_wait3A_447 = arith.constant 0 : i32
          %dma_wait3A_448 = arith.constant 0 : i32
          %dma_wait3A_449 = tpu.memref_slice %arg13[%dma_wait3A_447, %dma_wait3A_448] : memref<10000x128xf32, #tpu.memory_space<vmem_shared>> -> memref<10000x128xf32, #tpu.memory_space<vmem_shared>>
          tpu.wait_indirect_dma semaphore(%run_scoped3A_437 : memref<!tpu.dma_semaphore, #tpu.memory_space<semaphore_mem>>) src(%arg10 : memref<80x128xf32, #tpu.memory_space<vmem>>) dst(%dma_wait3A_449 : memref<10000x128xf32, #tpu.memory_space<vmem_shared>>)
          tpu.yield
        }) : () -> ()
        %get3A_389 = arith.constant 6 : i32
        %get3A_390 = arith.index_cast %get3A_389 : i32 to index
        %get3A_391 = arith.constant 0 : index
        %get3A_392 = tpu.vector_load %arg7[%get3A_390, %get3A_391] {strides = array<i32>} : memref<8x80xi32, #tpu.memory_space<vmem>>, vector<16xi32>,
        tpu.vector_store_idx %arg12[%get3A_392], %broadcast_in_dim3A_34 {add = true} : memref<10000xf32, #tpu.memory_space<vmem>>[vector<16xi32>], vector<16xf32>,
        %get3A_393 = arith.constant 6 : i32
        %get3A_394 = arith.index_cast %get3A_393 : i32 to index
        %get3A_395 = arith.constant 16 : index
        %get3A_396 = tpu.vector_load %arg7[%get3A_394, %get3A_395] {strides = array<i32>} : memref<8x80xi32, #tpu.memory_space<vmem>>, vector<16xi32>,
        tpu.vector_store_idx %arg12[%get3A_396], %broadcast_in_dim3A_34 {add = true} : memref<10000xf32, #tpu.memory_space<vmem>>[vector<16xi32>], vector<16xf32>,
        %get3A_397 = arith.constant 6 : i32
        %get3A_398 = arith.index_cast %get3A_397 : i32 to index
        %get3A_399 = arith.constant 32 : index
        %get3A_400 = tpu.vector_load %arg7[%get3A_398, %get3A_399] {strides = array<i32>} : memref<8x80xi32, #tpu.memory_space<vmem>>, vector<16xi32>,
        tpu.vector_store_idx %arg12[%get3A_400], %broadcast_in_dim3A_34 {add = true} : memref<10000xf32, #tpu.memory_space<vmem>>[vector<16xi32>], vector<16xf32>,
        %get3A_401 = arith.constant 6 : i32
        %get3A_402 = arith.index_cast %get3A_401 : i32 to index
        %get3A_403 = arith.constant 48 : index
        %get3A_404 = tpu.vector_load %arg7[%get3A_402, %get3A_403] {strides = array<i32>} : memref<8x80xi32, #tpu.memory_space<vmem>>, vector<16xi32>,
        tpu.vector_store_idx %arg12[%get3A_404], %broadcast_in_dim3A_34 {add = true} : memref<10000xf32, #tpu.memory_space<vmem>>[vector<16xi32>], vector<16xf32>,
        %get3A_405 = arith.constant 6 : i32
        %get3A_406 = arith.index_cast %get3A_405 : i32 to index
        %get3A_407 = arith.constant 64 : index
        %get3A_408 = tpu.vector_load %arg7[%get3A_406, %get3A_407] {strides = array<i32>} : memref<8x80xi32, #tpu.memory_space<vmem>>, vector<16xi32>,
        tpu.vector_store_idx %arg12[%get3A_408], %broadcast_in_dim3A_34 {add = true} : memref<10000xf32, #tpu.memory_space<vmem>>[vector<16xi32>], vector<16xf32>,
        %dma_wait3A_409 = arith.constant 7 : i32
        %dma_wait3A_410 = arith.constant 0 : i32
        %dma_wait3A_411 = tpu.memref_slice %arg6[%dma_wait3A_409, %dma_wait3A_410] : memref<8x80xi32, #tpu.memory_space<vmem>> -> memref<1x80xi32, #tpu.memory_space<vmem>>
        %dma_wait3A_412 = tpu.memref_squeeze %dma_wait3A_411 : memref<1x80xi32, #tpu.memory_space<vmem>> -> memref<80xi32, #tpu.memory_space<vmem>>
        %dma_wait3A_413 = arith.constant 0 : i32
        %dma_wait3A_414 = arith.constant 0 : i32
        %dma_wait3A_415 = tpu.memref_slice %arg2[%dma_wait3A_413, %dma_wait3A_414] : memref<10000x128xf32, #tpu.memory_space<hbm>> -> memref<10000x128xf32, #tpu.memory_space<hbm>>
        tpu.wait_indirect_dma semaphore(%arg15 : memref<!tpu.dma_semaphore, #tpu.memory_space<semaphore_mem>>) src(%dma_wait3A_415 : memref<10000x128xf32, #tpu.memory_space<hbm>>) dst(%arg11 : memref<80x128xf32, #tpu.memory_space<vmem>>)
        %run_scoped3A_416 = arith.constant 7 : i32
        "tpu.region"() ({
          %run_scoped3A_437 = tpu.sem_alloc : memref<!tpu.dma_semaphore, #tpu.memory_space<semaphore_mem>>
          %dma_start3A_438 = arith.constant 0 : i32
          %dma_start3A_439 = tpu.memref_slice %arg7[%run_scoped3A_416, %dma_start3A_438] : memref<8x80xi32, #tpu.memory_space<vmem>> -> memref<1x80xi32, #tpu.memory_space<vmem>>
          %dma_start3A_440 = tpu.memref_squeeze %dma_start3A_439 : memref<1x80xi32, #tpu.memory_space<vmem>> -> memref<80xi32, #tpu.memory_space<vmem>>
          %dma_start3A_441 = arith.constant 0 : i32
          %dma_start3A_442 = arith.constant 0 : i32
          %dma_start3A_443 = tpu.memref_slice %arg13[%dma_start3A_441, %dma_start3A_442] : memref<10000x128xf32, #tpu.memory_space<vmem_shared>> -> memref<10000x128xf32, #tpu.memory_space<vmem_shared>>
          tpu.enqueue_indirect_dma source(%arg11 : memref<80x128xf32, #tpu.memory_space<vmem>>) target(%dma_start3A_443 : memref<10000x128xf32, #tpu.memory_space<vmem_shared>>) offsets(%dma_start3A_440 : memref<80xi32, #tpu.memory_space<vmem>>) semaphore(%run_scoped3A_437 : memref<!tpu.dma_semaphore, #tpu.memory_space<semaphore_mem>>) {add = true}
          %dma_wait3A_444 = arith.constant 0 : i32
          %dma_wait3A_445 = tpu.memref_slice %arg7[%run_scoped3A_416, %dma_wait3A_444] : memref<8x80xi32, #tpu.memory_space<vmem>> -> memref<1x80xi32, #tpu.memory_space<vmem>>
          %dma_wait3A_446 = tpu.memref_squeeze %dma_wait3A_445 : memref<1x80xi32, #tpu.memory_space<vmem>> -> memref<80xi32, #tpu.memory_space<vmem>>
          %dma_wait3A_447 = arith.constant 0 : i32
          %dma_wait3A_448 = arith.constant 0 : i32
          %dma_wait3A_449 = tpu.memref_slice %arg13[%dma_wait3A_447, %dma_wait3A_448] : memref<10000x128xf32, #tpu.memory_space<vmem_shared>> -> memref<10000x128xf32, #tpu.memory_space<vmem_shared>>
          tpu.wait_indirect_dma semaphore(%run_scoped3A_437 : memref<!tpu.dma_semaphore, #tpu.memory_space<semaphore_mem>>) src(%arg11 : memref<80x128xf32, #tpu.memory_space<vmem>>) dst(%dma_wait3A_449 : memref<10000x128xf32, #tpu.memory_space<vmem_shared>>)
          tpu.yield
        }) : () -> ()
        %get3A_417 = arith.constant 7 : i32
        %get3A_418 = arith.index_cast %get3A_417 : i32 to index
        %get3A_419 = arith.constant 0 : index
        %get3A_420 = tpu.vector_load %arg7[%get3A_418, %get3A_419] {strides = array<i32>} : memref<8x80xi32, #tpu.memory_space<vmem>>, vector<16xi32>,
        tpu.vector_store_idx %arg12[%get3A_420], %broadcast_in_dim3A_34 {add = true} : memref<10000xf32, #tpu.memory_space<vmem>>[vector<16xi32>], vector<16xf32>,
        %get3A_421 = arith.constant 7 : i32
        %get3A_422 = arith.index_cast %get3A_421 : i32 to index
        %get3A_423 = arith.constant 16 : index
        %get3A_424 = tpu.vector_load %arg7[%get3A_422, %get3A_423] {strides = array<i32>} : memref<8x80xi32, #tpu.memory_space<vmem>>, vector<16xi32>,
        tpu.vector_store_idx %arg12[%get3A_424], %broadcast_in_dim3A_34 {add = true} : memref<10000xf32, #tpu.memory_space<vmem>>[vector<16xi32>], vector<16xf32>,
        %get3A_425 = arith.constant 7 : i32
        %get3A_426 = arith.index_cast %get3A_425 : i32 to index
        %get3A_427 = arith.constant 32 : index
        %get3A_428 = tpu.vector_load %arg7[%get3A_426, %get3A_427] {strides = array<i32>} : memref<8x80xi32, #tpu.memory_space<vmem>>, vector<16xi32>,
        tpu.vector_store_idx %arg12[%get3A_428], %broadcast_in_dim3A_34 {add = true} : memref<10000xf32, #tpu.memory_space<vmem>>[vector<16xi32>], vector<16xf32>,
        %get3A_429 = arith.constant 7 : i32
        %get3A_430 = arith.index_cast %get3A_429 : i32 to index
        %get3A_431 = arith.constant 48 : index
        %get3A_432 = tpu.vector_load %arg7[%get3A_430, %get3A_431] {strides = array<i32>} : memref<8x80xi32, #tpu.memory_space<vmem>>, vector<16xi32>,
        tpu.vector_store_idx %arg12[%get3A_432], %broadcast_in_dim3A_34 {add = true} : memref<10000xf32, #tpu.memory_space<vmem>>[vector<16xi32>], vector<16xf32>,
        %get3A_433 = arith.constant 7 : i32
        %get3A_434 = arith.index_cast %get3A_433 : i32 to index
        %get3A_435 = arith.constant 64 : index
        %get3A_436 = tpu.vector_load %arg7[%get3A_434, %get3A_435] {strides = array<i32>} : memref<8x80xi32, #tpu.memory_space<vmem>>, vector<16xi32>,
        tpu.vector_store_idx %arg12[%get3A_436], %broadcast_in_dim3A_34 {add = true} : memref<10000xf32, #tpu.memory_space<vmem>>[vector<16xi32>], vector<16xf32>,
      } else {
      }
      %dma_wait3A_127 = arith.constant 0 : i32
      %dma_wait3A_128 = arith.constant 0 : i32
      %dma_wait3A_129 = arith.constant 0 : i32
      %dma_wait3A_130 = arith.constant 0 : i32
      %dma_wait3A_131 = tpu.memref_slice %arg3[%dma_wait3A_127, %dma_wait3A_128, %dma_wait3A_129, %dma_wait3A_130] : memref<2x500x8x80xi32, #tpu.memory_space<hbm>> -> memref<1x1x8x80xi32, #tpu.memory_space<hbm>>
      %dma_wait3A_132 = tpu.memref_squeeze %dma_wait3A_131 : memref<1x1x8x80xi32, #tpu.memory_space<hbm>> -> memref<8x80xi32, #tpu.memory_space<hbm>>
      %dma_wait3A_133 = arith.constant 0 : i32
      %dma_wait3A_134 = arith.constant 0 : i32
      %dma_wait3A_135 = tpu.memref_slice %arg3[%dma_wait3A_127, %dma_wait3A_128, %dma_wait3A_133, %dma_wait3A_134] : memref<2x500x8x80xi32, #tpu.memory_space<hbm>> -> memref<1x1x8x80xi32, #tpu.memory_space<hbm>>
      %dma_wait3A_136 = tpu.memref_squeeze %dma_wait3A_135 : memref<1x1x8x80xi32, #tpu.memory_space<hbm>> -> memref<8x80xi32, #tpu.memory_space<hbm>>
      tpu.wait_dma2 semaphore(%arg17 : memref<!tpu.dma_semaphore, #tpu.memory_space<semaphore_mem>>) src(%dma_wait3A_136 : memref<8x80xi32, #tpu.memory_space<hbm>>) dst(%arg8 : memref<8x80xi32, #tpu.memory_space<vmem>>)
      %dma_wait3A_137 = arith.constant 0 : i32
      %dma_wait3A_138 = arith.constant 0 : i32
      %dma_wait3A_139 = arith.constant 0 : i32
      %dma_wait3A_140 = arith.constant 0 : i32
      %dma_wait3A_141 = tpu.memref_slice %arg3[%dma_wait3A_137, %dma_wait3A_138, %dma_wait3A_139, %dma_wait3A_140] : memref<2x500x8x80xi32, #tpu.memory_space<hbm>> -> memref<1x1x8x80xi32, #tpu.memory_space<hbm>>
      %dma_wait3A_142 = tpu.memref_squeeze %dma_wait3A_141 : memref<1x1x8x80xi32, #tpu.memory_space<hbm>> -> memref<8x80xi32, #tpu.memory_space<hbm>>
      %dma_wait3A_143 = arith.constant 0 : i32
      %dma_wait3A_144 = arith.constant 0 : i32
      %dma_wait3A_145 = tpu.memref_slice %arg3[%dma_wait3A_137, %dma_wait3A_138, %dma_wait3A_143, %dma_wait3A_144] : memref<2x500x8x80xi32, #tpu.memory_space<hbm>> -> memref<1x1x8x80xi32, #tpu.memory_space<hbm>>
      %dma_wait3A_146 = tpu.memref_squeeze %dma_wait3A_145 : memref<1x1x8x80xi32, #tpu.memory_space<hbm>> -> memref<8x80xi32, #tpu.memory_space<hbm>>
      tpu.wait_dma2 semaphore(%arg17 : memref<!tpu.dma_semaphore, #tpu.memory_space<semaphore_mem>>) src(%dma_wait3A_146 : memref<8x80xi32, #tpu.memory_space<hbm>>) dst(%arg9 : memref<8x80xi32, #tpu.memory_space<vmem>>)
      %lt3A_147 = arith.constant 7 : i32
      %lt3A_148 = arith.cmpi slt, %scan3A_78, %lt3A_147 : i32
      %convert_element_type3A_149 = arith.extui %lt3A_148 : i1 to i32
      %cond3A_150 = arith.constant 0 : i32
      %cond3A_151 = arith.cmpi ne, %convert_element_type3A_149, %cond3A_150 : i32
      scf.if %cond3A_151 {
        %add3A_158 = arith.constant 2 : i32
        %add3A_159 = arith.addi %add3A_81, %add3A_158 : i32
        %min3A_160 = arith.constant 499 : i32
        %min3A_161 = arith.minsi %add3A_159, %min3A_160 : i32
        %dma_start3A_162 = arith.constant 0 : i32
        %dma_start3A_163 = arith.constant 0 : i32
        %dma_start3A_164 = arith.constant 0 : i32
        %dma_start3A_165 = tpu.memref_slice %arg3[%dma_start3A_162, %min3A_161, %dma_start3A_163, %dma_start3A_164] : memref<2x500x8x80xi32, #tpu.memory_space<hbm>> -> memref<1x1x8x80xi32, #tpu.memory_space<hbm>>
        %dma_start3A_166 = tpu.memref_squeeze %dma_start3A_165 : memref<1x1x8x80xi32, #tpu.memory_space<hbm>> -> memref<8x80xi32, #tpu.memory_space<hbm>>
        %dma_start3A_167 = arith.constant 0 : i32
        %dma_start3A_168 = arith.constant 0 : i32
        %dma_start3A_169 = tpu.memref_slice %arg3[%dma_start3A_162, %min3A_161, %dma_start3A_167, %dma_start3A_168] : memref<2x500x8x80xi32, #tpu.memory_space<hbm>> -> memref<1x1x8x80xi32, #tpu.memory_space<hbm>>
        %dma_start3A_170 = tpu.memref_squeeze %dma_start3A_169 : memref<1x1x8x80xi32, #tpu.memory_space<hbm>> -> memref<8x80xi32, #tpu.memory_space<hbm>>
        tpu.enqueue_dma source(%dma_start3A_170 : memref<8x80xi32, #tpu.memory_space<hbm>>) target(%arg6 : memref<8x80xi32, #tpu.memory_space<vmem>>) target_semaphore(%arg16 : memref<!tpu.dma_semaphore, #tpu.memory_space<semaphore_mem>>)
        %dma_start3A_171 = arith.constant 1 : i32
        %dma_start3A_172 = arith.constant 0 : i32
        %dma_start3A_173 = arith.constant 0 : i32
        %dma_start3A_174 = tpu.memref_slice %arg3[%dma_start3A_171, %min3A_161, %dma_start3A_172, %dma_start3A_173] : memref<2x500x8x80xi32, #tpu.memory_space<hbm>> -> memref<1x1x8x80xi32, #tpu.memory_space<hbm>>
        %dma_start3A_175 = tpu.memref_squeeze %dma_start3A_174 : memref<1x1x8x80xi32, #tpu.memory_space<hbm>> -> memref<8x80xi32, #tpu.memory_space<hbm>>
        %dma_start3A_176 = arith.constant 0 : i32
        %dma_start3A_177 = arith.constant 0 : i32
        %dma_start3A_178 = tpu.memref_slice %arg3[%dma_start3A_171, %min3A_161, %dma_start3A_176, %dma_start3A_177] : memref<2x500x8x80xi32, #tpu.memory_space<hbm>> -> memref<1x1x8x80xi32, #tpu.memory_space<hbm>>
        %dma_start3A_179 = tpu.memref_squeeze %dma_start3A_178 : memref<1x1x8x80xi32, #tpu.memory_space<hbm>> -> memref<8x80xi32, #tpu.memory_space<hbm>>
        tpu.enqueue_dma source(%dma_start3A_179 : memref<8x80xi32, #tpu.memory_space<hbm>>) target(%arg7 : memref<8x80xi32, #tpu.memory_space<vmem>>) target_semaphore(%arg16 : memref<!tpu.dma_semaphore, #tpu.memory_space<semaphore_mem>>)
      } else {
      }
      %add3A_152 = arith.constant 1 : i32
      %add3A_153 = arith.addi %add3A_81, %add3A_152 : i32
      %lt3A_154 = arith.cmpi slt, %add3A_153, %add3A_46 : i32
      %convert_element_type3A_155 = arith.extui %lt3A_154 : i1 to i32
      %cond3A_156 = arith.constant 0 : i32
      %cond3A_157 = arith.cmpi ne, %convert_element_type3A_155, %cond3A_156 : i32
      scf.if %cond3A_157 {
        %dma_start3A_158 = arith.constant 0 : i32
        %dma_start3A_159 = arith.constant 0 : i32
        %dma_start3A_160 = tpu.memref_slice %arg8[%dma_start3A_158, %dma_start3A_159] : memref<8x80xi32, #tpu.memory_space<vmem>> -> memref<1x80xi32, #tpu.memory_space<vmem>>
        %dma_start3A_161 = tpu.memref_squeeze %dma_start3A_160 : memref<1x80xi32, #tpu.memory_space<vmem>> -> memref<80xi32, #tpu.memory_space<vmem>>
        %dma_start3A_162 = arith.constant 0 : i32
        %dma_start3A_163 = arith.constant 0 : i32
        %dma_start3A_164 = tpu.memref_slice %arg2[%dma_start3A_162, %dma_start3A_163] : memref<10000x128xf32, #tpu.memory_space<hbm>> -> memref<10000x128xf32, #tpu.memory_space<hbm>>
        tpu.enqueue_indirect_dma source(%dma_start3A_164 : memref<10000x128xf32, #tpu.memory_space<hbm>>) target(%arg10 : memref<80x128xf32, #tpu.memory_space<vmem>>) offsets(%dma_start3A_161 : memref<80xi32, #tpu.memory_space<vmem>>) semaphore(%arg14 : memref<!tpu.dma_semaphore, #tpu.memory_space<semaphore_mem>>)
        %dma_wait3A_165 = arith.constant 0 : i32
        %dma_wait3A_166 = arith.constant 0 : i32
        %dma_wait3A_167 = tpu.memref_slice %arg8[%dma_wait3A_165, %dma_wait3A_166] : memref<8x80xi32, #tpu.memory_space<vmem>> -> memref<1x80xi32, #tpu.memory_space<vmem>>
        %dma_wait3A_168 = tpu.memref_squeeze %dma_wait3A_167 : memref<1x80xi32, #tpu.memory_space<vmem>> -> memref<80xi32, #tpu.memory_space<vmem>>
        %dma_wait3A_169 = arith.constant 0 : i32
        %dma_wait3A_170 = arith.constant 0 : i32
        %dma_wait3A_171 = tpu.memref_slice %arg2[%dma_wait3A_169, %dma_wait3A_170] : memref<10000x128xf32, #tpu.memory_space<hbm>> -> memref<10000x128xf32, #tpu.memory_space<hbm>>
        tpu.wait_indirect_dma semaphore(%arg14 : memref<!tpu.dma_semaphore, #tpu.memory_space<semaphore_mem>>) src(%dma_wait3A_171 : memref<10000x128xf32, #tpu.memory_space<hbm>>) dst(%arg10 : memref<80x128xf32, #tpu.memory_space<vmem>>)
        %dma_start3A_172 = arith.constant 1 : i32
        %dma_start3A_173 = arith.constant 0 : i32
        %dma_start3A_174 = tpu.memref_slice %arg8[%dma_start3A_172, %dma_start3A_173] : memref<8x80xi32, #tpu.memory_space<vmem>> -> memref<1x80xi32, #tpu.memory_space<vmem>>
        %dma_start3A_175 = tpu.memref_squeeze %dma_start3A_174 : memref<1x80xi32, #tpu.memory_space<vmem>> -> memref<80xi32, #tpu.memory_space<vmem>>
        %dma_start3A_176 = arith.constant 0 : i32
        %dma_start3A_177 = arith.constant 0 : i32
        %dma_start3A_178 = tpu.memref_slice %arg2[%dma_start3A_176, %dma_start3A_177] : memref<10000x128xf32, #tpu.memory_space<hbm>> -> memref<10000x128xf32, #tpu.memory_space<hbm>>
        tpu.enqueue_indirect_dma source(%dma_start3A_178 : memref<10000x128xf32, #tpu.memory_space<hbm>>) target(%arg11 : memref<80x128xf32, #tpu.memory_space<vmem>>) offsets(%dma_start3A_175 : memref<80xi32, #tpu.memory_space<vmem>>) semaphore(%arg15 : memref<!tpu.dma_semaphore, #tpu.memory_space<semaphore_mem>>)
        %run_scoped3A_179 = arith.constant 0 : i32
        "tpu.region"() ({
          %run_scoped3A_437 = tpu.sem_alloc : memref<!tpu.dma_semaphore, #tpu.memory_space<semaphore_mem>>
          %dma_start3A_438 = arith.constant 0 : i32
          %dma_start3A_439 = tpu.memref_slice %arg9[%run_scoped3A_179, %dma_start3A_438] : memref<8x80xi32, #tpu.memory_space<vmem>> -> memref<1x80xi32, #tpu.memory_space<vmem>>
          %dma_start3A_440 = tpu.memref_squeeze %dma_start3A_439 : memref<1x80xi32, #tpu.memory_space<vmem>> -> memref<80xi32, #tpu.memory_space<vmem>>
          %dma_start3A_441 = arith.constant 0 : i32
          %dma_start3A_442 = arith.constant 0 : i32
          %dma_start3A_443 = tpu.memref_slice %arg13[%dma_start3A_441, %dma_start3A_442] : memref<10000x128xf32, #tpu.memory_space<vmem_shared>> -> memref<10000x128xf32, #tpu.memory_space<vmem_shared>>
          tpu.enqueue_indirect_dma source(%arg10 : memref<80x128xf32, #tpu.memory_space<vmem>>) target(%dma_start3A_443 : memref<10000x128xf32, #tpu.memory_space<vmem_shared>>) offsets(%dma_start3A_440 : memref<80xi32, #tpu.memory_space<vmem>>) semaphore(%run_scoped3A_437 : memref<!tpu.dma_semaphore, #tpu.memory_space<semaphore_mem>>) {add = true}
          %dma_wait3A_444 = arith.constant 0 : i32
          %dma_wait3A_445 = tpu.memref_slice %arg9[%run_scoped3A_179, %dma_wait3A_444] : memref<8x80xi32, #tpu.memory_space<vmem>> -> memref<1x80xi32, #tpu.memory_space<vmem>>
          %dma_wait3A_446 = tpu.memref_squeeze %dma_wait3A_445 : memref<1x80xi32, #tpu.memory_space<vmem>> -> memref<80xi32, #tpu.memory_space<vmem>>
          %dma_wait3A_447 = arith.constant 0 : i32
          %dma_wait3A_448 = arith.constant 0 : i32
          %dma_wait3A_449 = tpu.memref_slice %arg13[%dma_wait3A_447, %dma_wait3A_448] : memref<10000x128xf32, #tpu.memory_space<vmem_shared>> -> memref<10000x128xf32, #tpu.memory_space<vmem_shared>>
          tpu.wait_indirect_dma semaphore(%run_scoped3A_437 : memref<!tpu.dma_semaphore, #tpu.memory_space<semaphore_mem>>) src(%arg10 : memref<80x128xf32, #tpu.memory_space<vmem>>) dst(%dma_wait3A_449 : memref<10000x128xf32, #tpu.memory_space<vmem_shared>>)
          tpu.yield
        }) : () -> ()
        %get3A = arith.constant 0 : i32
        %get3A_180 = arith.index_cast %get3A : i32 to index
        %get3A_181 = arith.constant 0 : index
        %get3A_182 = tpu.vector_load %arg9[%get3A_180, %get3A_181] {strides = array<i32>} : memref<8x80xi32, #tpu.memory_space<vmem>>, vector<16xi32>,
        tpu.vector_store_idx %arg12[%get3A_182], %broadcast_in_dim3A_34 {add = true} : memref<10000xf32, #tpu.memory_space<vmem>>[vector<16xi32>], vector<16xf32>,
        %get3A_183 = arith.constant 0 : i32
        %get3A_184 = arith.index_cast %get3A_183 : i32 to index
        %get3A_185 = arith.constant 16 : index
        %get3A_186 = tpu.vector_load %arg9[%get3A_184, %get3A_185] {strides = array<i32>} : memref<8x80xi32, #tpu.memory_space<vmem>>, vector<16xi32>,
        tpu.vector_store_idx %arg12[%get3A_186], %broadcast_in_dim3A_34 {add = true} : memref<10000xf32, #tpu.memory_space<vmem>>[vector<16xi32>], vector<16xf32>,
        %get3A_187 = arith.constant 0 : i32
        %get3A_188 = arith.index_cast %get3A_187 : i32 to index
        %get3A_189 = arith.constant 32 : index
        %get3A_190 = tpu.vector_load %arg9[%get3A_188, %get3A_189] {strides = array<i32>} : memref<8x80xi32, #tpu.memory_space<vmem>>, vector<16xi32>,
        tpu.vector_store_idx %arg12[%get3A_190], %broadcast_in_dim3A_34 {add = true} : memref<10000xf32, #tpu.memory_space<vmem>>[vector<16xi32>], vector<16xf32>,
        %get3A_191 = arith.constant 0 : i32
        %get3A_192 = arith.index_cast %get3A_191 : i32 to index
        %get3A_193 = arith.constant 48 : index
        %get3A_194 = tpu.vector_load %arg9[%get3A_192, %get3A_193] {strides = array<i32>} : memref<8x80xi32, #tpu.memory_space<vmem>>, vector<16xi32>,
        tpu.vector_store_idx %arg12[%get3A_194], %broadcast_in_dim3A_34 {add = true} : memref<10000xf32, #tpu.memory_space<vmem>>[vector<16xi32>], vector<16xf32>,
        %get3A_195 = arith.constant 0 : i32
        %get3A_196 = arith.index_cast %get3A_195 : i32 to index
        %get3A_197 = arith.constant 64 : index
        %get3A_198 = tpu.vector_load %arg9[%get3A_196, %get3A_197] {strides = array<i32>} : memref<8x80xi32, #tpu.memory_space<vmem>>, vector<16xi32>,
        tpu.vector_store_idx %arg12[%get3A_198], %broadcast_in_dim3A_34 {add = true} : memref<10000xf32, #tpu.memory_space<vmem>>[vector<16xi32>], vector<16xf32>,
        %dma_wait3A_199 = arith.constant 1 : i32
        %dma_wait3A_200 = arith.constant 0 : i32
        %dma_wait3A_201 = tpu.memref_slice %arg8[%dma_wait3A_199, %dma_wait3A_200] : memref<8x80xi32, #tpu.memory_space<vmem>> -> memref<1x80xi32, #tpu.memory_space<vmem>>
        %dma_wait3A_202 = tpu.memref_squeeze %dma_wait3A_201 : memref<1x80xi32, #tpu.memory_space<vmem>> -> memref<80xi32, #tpu.memory_space<vmem>>
        %dma_wait3A_203 = arith.constant 0 : i32
        %dma_wait3A_204 = arith.constant 0 : i32
        %dma_wait3A_205 = tpu.memref_slice %arg2[%dma_wait3A_203, %dma_wait3A_204] : memref<10000x128xf32, #tpu.memory_space<hbm>> -> memref<10000x128xf32, #tpu.memory_space<hbm>>
        tpu.wait_indirect_dma semaphore(%arg15 : memref<!tpu.dma_semaphore, #tpu.memory_space<semaphore_mem>>) src(%dma_wait3A_205 : memref<10000x128xf32, #tpu.memory_space<hbm>>) dst(%arg11 : memref<80x128xf32, #tpu.memory_space<vmem>>)
        %dma_start3A_206 = arith.constant 2 : i32
        %dma_start3A_207 = arith.constant 0 : i32
        %dma_start3A_208 = tpu.memref_slice %arg8[%dma_start3A_206, %dma_start3A_207] : memref<8x80xi32, #tpu.memory_space<vmem>> -> memref<1x80xi32, #tpu.memory_space<vmem>>
        %dma_start3A_209 = tpu.memref_squeeze %dma_start3A_208 : memref<1x80xi32, #tpu.memory_space<vmem>> -> memref<80xi32, #tpu.memory_space<vmem>>
        %dma_start3A_210 = arith.constant 0 : i32
        %dma_start3A_211 = arith.constant 0 : i32
        %dma_start3A_212 = tpu.memref_slice %arg2[%dma_start3A_210, %dma_start3A_211] : memref<10000x128xf32, #tpu.memory_space<hbm>> -> memref<10000x128xf32, #tpu.memory_space<hbm>>
        tpu.enqueue_indirect_dma source(%dma_start3A_212 : memref<10000x128xf32, #tpu.memory_space<hbm>>) target(%arg10 : memref<80x128xf32, #tpu.memory_space<vmem>>) offsets(%dma_start3A_209 : memref<80xi32, #tpu.memory_space<vmem>>) semaphore(%arg14 : memref<!tpu.dma_semaphore, #tpu.memory_space<semaphore_mem>>)
        %run_scoped3A_213 = arith.constant 1 : i32
        "tpu.region"() ({
          %run_scoped3A_437 = tpu.sem_alloc : memref<!tpu.dma_semaphore, #tpu.memory_space<semaphore_mem>>
          %dma_start3A_438 = arith.constant 0 : i32
          %dma_start3A_439 = tpu.memref_slice %arg9[%run_scoped3A_213, %dma_start3A_438] : memref<8x80xi32, #tpu.memory_space<vmem>> -> memref<1x80xi32, #tpu.memory_space<vmem>>
          %dma_start3A_440 = tpu.memref_squeeze %dma_start3A_439 : memref<1x80xi32, #tpu.memory_space<vmem>> -> memref<80xi32, #tpu.memory_space<vmem>>
          %dma_start3A_441 = arith.constant 0 : i32
          %dma_start3A_442 = arith.constant 0 : i32
          %dma_start3A_443 = tpu.memref_slice %arg13[%dma_start3A_441, %dma_start3A_442] : memref<10000x128xf32, #tpu.memory_space<vmem_shared>> -> memref<10000x128xf32, #tpu.memory_space<vmem_shared>>
          tpu.enqueue_indirect_dma source(%arg11 : memref<80x128xf32, #tpu.memory_space<vmem>>) target(%dma_start3A_443 : memref<10000x128xf32, #tpu.memory_space<vmem_shared>>) offsets(%dma_start3A_440 : memref<80xi32, #tpu.memory_space<vmem>>) semaphore(%run_scoped3A_437 : memref<!tpu.dma_semaphore, #tpu.memory_space<semaphore_mem>>) {add = true}
          %dma_wait3A_444 = arith.constant 0 : i32
          %dma_wait3A_445 = tpu.memref_slice %arg9[%run_scoped3A_213, %dma_wait3A_444] : memref<8x80xi32, #tpu.memory_space<vmem>> -> memref<1x80xi32, #tpu.memory_space<vmem>>
          %dma_wait3A_446 = tpu.memref_squeeze %dma_wait3A_445 : memref<1x80xi32, #tpu.memory_space<vmem>> -> memref<80xi32, #tpu.memory_space<vmem>>
          %dma_wait3A_447 = arith.constant 0 : i32
          %dma_wait3A_448 = arith.constant 0 : i32
          %dma_wait3A_449 = tpu.memref_slice %arg13[%dma_wait3A_447, %dma_wait3A_448] : memref<10000x128xf32, #tpu.memory_space<vmem_shared>> -> memref<10000x128xf32, #tpu.memory_space<vmem_shared>>
          tpu.wait_indirect_dma semaphore(%run_scoped3A_437 : memref<!tpu.dma_semaphore, #tpu.memory_space<semaphore_mem>>) src(%arg11 : memref<80x128xf32, #tpu.memory_space<vmem>>) dst(%dma_wait3A_449 : memref<10000x128xf32, #tpu.memory_space<vmem_shared>>)
          tpu.yield
        }) : () -> ()
        %get3A_214 = arith.constant 1 : i32
        %get3A_215 = arith.index_cast %get3A_214 : i32 to index
        %get3A_216 = arith.constant 0 : index
        %get3A_217 = tpu.vector_load %arg9[%get3A_215, %get3A_216] {strides = array<i32>} : memref<8x80xi32, #tpu.memory_space<vmem>>, vector<16xi32>,
        tpu.vector_store_idx %arg12[%get3A_217], %broadcast_in_dim3A_34 {add = true} : memref<10000xf32, #tpu.memory_space<vmem>>[vector<16xi32>], vector<16xf32>,
        %get3A_218 = arith.constant 1 : i32
        %get3A_219 = arith.index_cast %get3A_218 : i32 to index
        %get3A_220 = arith.constant 16 : index
        %get3A_221 = tpu.vector_load %arg9[%get3A_219, %get3A_220] {strides = array<i32>} : memref<8x80xi32, #tpu.memory_space<vmem>>, vector<16xi32>,
        tpu.vector_store_idx %arg12[%get3A_221], %broadcast_in_dim3A_34 {add = true} : memref<10000xf32, #tpu.memory_space<vmem>>[vector<16xi32>], vector<16xf32>,
        %get3A_222 = arith.constant 1 : i32
        %get3A_223 = arith.index_cast %get3A_222 : i32 to index
        %get3A_224 = arith.constant 32 : index
        %get3A_225 = tpu.vector_load %arg9[%get3A_223, %get3A_224] {strides = array<i32>} : memref<8x80xi32, #tpu.memory_space<vmem>>, vector<16xi32>,
        tpu.vector_store_idx %arg12[%get3A_225], %broadcast_in_dim3A_34 {add = true} : memref<10000xf32, #tpu.memory_space<vmem>>[vector<16xi32>], vector<16xf32>,
        %get3A_226 = arith.constant 1 : i32
        %get3A_227 = arith.index_cast %get3A_226 : i32 to index
        %get3A_228 = arith.constant 48 : index
        %get3A_229 = tpu.vector_load %arg9[%get3A_227, %get3A_228] {strides = array<i32>} : memref<8x80xi32, #tpu.memory_space<vmem>>, vector<16xi32>,
        tpu.vector_store_idx %arg12[%get3A_229], %broadcast_in_dim3A_34 {add = true} : memref<10000xf32, #tpu.memory_space<vmem>>[vector<16xi32>], vector<16xf32>,
        %get3A_230 = arith.constant 1 : i32
        %get3A_231 = arith.index_cast %get3A_230 : i32 to index
        %get3A_232 = arith.constant 64 : index
        %get3A_233 = tpu.vector_load %arg9[%get3A_231, %get3A_232] {strides = array<i32>} : memref<8x80xi32, #tpu.memory_space<vmem>>, vector<16xi32>,
        tpu.vector_store_idx %arg12[%get3A_233], %broadcast_in_dim3A_34 {add = true} : memref<10000xf32, #tpu.memory_space<vmem>>[vector<16xi32>], vector<16xf32>,
        %dma_wait3A_234 = arith.constant 2 : i32
        %dma_wait3A_235 = arith.constant 0 : i32
        %dma_wait3A_236 = tpu.memref_slice %arg8[%dma_wait3A_234, %dma_wait3A_235] : memref<8x80xi32, #tpu.memory_space<vmem>> -> memref<1x80xi32, #tpu.memory_space<vmem>>
        %dma_wait3A_237 = tpu.memref_squeeze %dma_wait3A_236 : memref<1x80xi32, #tpu.memory_space<vmem>> -> memref<80xi32, #tpu.memory_space<vmem>>
        %dma_wait3A_238 = arith.constant 0 : i32
        %dma_wait3A_239 = arith.constant 0 : i32
        %dma_wait3A_240 = tpu.memref_slice %arg2[%dma_wait3A_238, %dma_wait3A_239] : memref<10000x128xf32, #tpu.memory_space<hbm>> -> memref<10000x128xf32, #tpu.memory_space<hbm>>
        tpu.wait_indirect_dma semaphore(%arg14 : memref<!tpu.dma_semaphore, #tpu.memory_space<semaphore_mem>>) src(%dma_wait3A_240 : memref<10000x128xf32, #tpu.memory_space<hbm>>) dst(%arg10 : memref<80x128xf32, #tpu.memory_space<vmem>>)
        %dma_start3A_241 = arith.constant 3 : i32
        %dma_start3A_242 = arith.constant 0 : i32
        %dma_start3A_243 = tpu.memref_slice %arg8[%dma_start3A_241, %dma_start3A_242] : memref<8x80xi32, #tpu.memory_space<vmem>> -> memref<1x80xi32, #tpu.memory_space<vmem>>
        %dma_start3A_244 = tpu.memref_squeeze %dma_start3A_243 : memref<1x80xi32, #tpu.memory_space<vmem>> -> memref<80xi32, #tpu.memory_space<vmem>>
        %dma_start3A_245 = arith.constant 0 : i32
        %dma_start3A_246 = arith.constant 0 : i32
        %dma_start3A_247 = tpu.memref_slice %arg2[%dma_start3A_245, %dma_start3A_246] : memref<10000x128xf32, #tpu.memory_space<hbm>> -> memref<10000x128xf32, #tpu.memory_space<hbm>>
        tpu.enqueue_indirect_dma source(%dma_start3A_247 : memref<10000x128xf32, #tpu.memory_space<hbm>>) target(%arg11 : memref<80x128xf32, #tpu.memory_space<vmem>>) offsets(%dma_start3A_244 : memref<80xi32, #tpu.memory_space<vmem>>) semaphore(%arg15 : memref<!tpu.dma_semaphore, #tpu.memory_space<semaphore_mem>>)
        %run_scoped3A_248 = arith.constant 2 : i32
        "tpu.region"() ({
          %run_scoped3A_437 = tpu.sem_alloc : memref<!tpu.dma_semaphore, #tpu.memory_space<semaphore_mem>>
          %dma_start3A_438 = arith.constant 0 : i32
          %dma_start3A_439 = tpu.memref_slice %arg9[%run_scoped3A_248, %dma_start3A_438] : memref<8x80xi32, #tpu.memory_space<vmem>> -> memref<1x80xi32, #tpu.memory_space<vmem>>
          %dma_start3A_440 = tpu.memref_squeeze %dma_start3A_439 : memref<1x80xi32, #tpu.memory_space<vmem>> -> memref<80xi32, #tpu.memory_space<vmem>>
          %dma_start3A_441 = arith.constant 0 : i32
          %dma_start3A_442 = arith.constant 0 : i32
          %dma_start3A_443 = tpu.memref_slice %arg13[%dma_start3A_441, %dma_start3A_442] : memref<10000x128xf32, #tpu.memory_space<vmem_shared>> -> memref<10000x128xf32, #tpu.memory_space<vmem_shared>>
          tpu.enqueue_indirect_dma source(%arg10 : memref<80x128xf32, #tpu.memory_space<vmem>>) target(%dma_start3A_443 : memref<10000x128xf32, #tpu.memory_space<vmem_shared>>) offsets(%dma_start3A_440 : memref<80xi32, #tpu.memory_space<vmem>>) semaphore(%run_scoped3A_437 : memref<!tpu.dma_semaphore, #tpu.memory_space<semaphore_mem>>) {add = true}
          %dma_wait3A_444 = arith.constant 0 : i32
          %dma_wait3A_445 = tpu.memref_slice %arg9[%run_scoped3A_248, %dma_wait3A_444] : memref<8x80xi32, #tpu.memory_space<vmem>> -> memref<1x80xi32, #tpu.memory_space<vmem>>
          %dma_wait3A_446 = tpu.memref_squeeze %dma_wait3A_445 : memref<1x80xi32, #tpu.memory_space<vmem>> -> memref<80xi32, #tpu.memory_space<vmem>>
          %dma_wait3A_447 = arith.constant 0 : i32
          %dma_wait3A_448 = arith.constant 0 : i32
          %dma_wait3A_449 = tpu.memref_slice %arg13[%dma_wait3A_447, %dma_wait3A_448] : memref<10000x128xf32, #tpu.memory_space<vmem_shared>> -> memref<10000x128xf32, #tpu.memory_space<vmem_shared>>
          tpu.wait_indirect_dma semaphore(%run_scoped3A_437 : memref<!tpu.dma_semaphore, #tpu.memory_space<semaphore_mem>>) src(%arg10 : memref<80x128xf32, #tpu.memory_space<vmem>>) dst(%dma_wait3A_449 : memref<10000x128xf32, #tpu.memory_space<vmem_shared>>)
          tpu.yield
        }) : () -> ()
        %get3A_249 = arith.constant 2 : i32
        %get3A_250 = arith.index_cast %get3A_249 : i32 to index
        %get3A_251 = arith.constant 0 : index
        %get3A_252 = tpu.vector_load %arg9[%get3A_250, %get3A_251] {strides = array<i32>} : memref<8x80xi32, #tpu.memory_space<vmem>>, vector<16xi32>,
        tpu.vector_store_idx %arg12[%get3A_252], %broadcast_in_dim3A_34 {add = true} : memref<10000xf32, #tpu.memory_space<vmem>>[vector<16xi32>], vector<16xf32>,
        %get3A_253 = arith.constant 2 : i32
        %get3A_254 = arith.index_cast %get3A_253 : i32 to index
        %get3A_255 = arith.constant 16 : index
        %get3A_256 = tpu.vector_load %arg9[%get3A_254, %get3A_255] {strides = array<i32>} : memref<8x80xi32, #tpu.memory_space<vmem>>, vector<16xi32>,
        tpu.vector_store_idx %arg12[%get3A_256], %broadcast_in_dim3A_34 {add = true} : memref<10000xf32, #tpu.memory_space<vmem>>[vector<16xi32>], vector<16xf32>,
        %get3A_257 = arith.constant 2 : i32
        %get3A_258 = arith.index_cast %get3A_257 : i32 to index
        %get3A_259 = arith.constant 32 : index
        %get3A_260 = tpu.vector_load %arg9[%get3A_258, %get3A_259] {strides = array<i32>} : memref<8x80xi32, #tpu.memory_space<vmem>>, vector<16xi32>,
        tpu.vector_store_idx %arg12[%get3A_260], %broadcast_in_dim3A_34 {add = true} : memref<10000xf32, #tpu.memory_space<vmem>>[vector<16xi32>], vector<16xf32>,
        %get3A_261 = arith.constant 2 : i32
        %get3A_262 = arith.index_cast %get3A_261 : i32 to index
        %get3A_263 = arith.constant 48 : index
        %get3A_264 = tpu.vector_load %arg9[%get3A_262, %get3A_263] {strides = array<i32>} : memref<8x80xi32, #tpu.memory_space<vmem>>, vector<16xi32>,
        tpu.vector_store_idx %arg12[%get3A_264], %broadcast_in_dim3A_34 {add = true} : memref<10000xf32, #tpu.memory_space<vmem>>[vector<16xi32>], vector<16xf32>,
        %get3A_265 = arith.constant 2 : i32
        %get3A_266 = arith.index_cast %get3A_265 : i32 to index
        %get3A_267 = arith.constant 64 : index
        %get3A_268 = tpu.vector_load %arg9[%get3A_266, %get3A_267] {strides = array<i32>} : memref<8x80xi32, #tpu.memory_space<vmem>>, vector<16xi32>,
        tpu.vector_store_idx %arg12[%get3A_268], %broadcast_in_dim3A_34 {add = true} : memref<10000xf32, #tpu.memory_space<vmem>>[vector<16xi32>], vector<16xf32>,
        %dma_wait3A_269 = arith.constant 3 : i32
        %dma_wait3A_270 = arith.constant 0 : i32
        %dma_wait3A_271 = tpu.memref_slice %arg8[%dma_wait3A_269, %dma_wait3A_270] : memref<8x80xi32, #tpu.memory_space<vmem>> -> memref<1x80xi32, #tpu.memory_space<vmem>>
        %dma_wait3A_272 = tpu.memref_squeeze %dma_wait3A_271 : memref<1x80xi32, #tpu.memory_space<vmem>> -> memref<80xi32, #tpu.memory_space<vmem>>
        %dma_wait3A_273 = arith.constant 0 : i32
        %dma_wait3A_274 = arith.constant 0 : i32
        %dma_wait3A_275 = tpu.memref_slice %arg2[%dma_wait3A_273, %dma_wait3A_274] : memref<10000x128xf32, #tpu.memory_space<hbm>> -> memref<10000x128xf32, #tpu.memory_space<hbm>>
        tpu.wait_indirect_dma semaphore(%arg15 : memref<!tpu.dma_semaphore, #tpu.memory_space<semaphore_mem>>) src(%dma_wait3A_275 : memref<10000x128xf32, #tpu.memory_space<hbm>>) dst(%arg11 : memref<80x128xf32, #tpu.memory_space<vmem>>)
        %dma_start3A_276 = arith.constant 4 : i32
        %dma_start3A_277 = arith.constant 0 : i32
        %dma_start3A_278 = tpu.memref_slice %arg8[%dma_start3A_276, %dma_start3A_277] : memref<8x80xi32, #tpu.memory_space<vmem>> -> memref<1x80xi32, #tpu.memory_space<vmem>>
        %dma_start3A_279 = tpu.memref_squeeze %dma_start3A_278 : memref<1x80xi32, #tpu.memory_space<vmem>> -> memref<80xi32, #tpu.memory_space<vmem>>
        %dma_start3A_280 = arith.constant 0 : i32
        %dma_start3A_281 = arith.constant 0 : i32
        %dma_start3A_282 = tpu.memref_slice %arg2[%dma_start3A_280, %dma_start3A_281] : memref<10000x128xf32, #tpu.memory_space<hbm>> -> memref<10000x128xf32, #tpu.memory_space<hbm>>
        tpu.enqueue_indirect_dma source(%dma_start3A_282 : memref<10000x128xf32, #tpu.memory_space<hbm>>) target(%arg10 : memref<80x128xf32, #tpu.memory_space<vmem>>) offsets(%dma_start3A_279 : memref<80xi32, #tpu.memory_space<vmem>>) semaphore(%arg14 : memref<!tpu.dma_semaphore, #tpu.memory_space<semaphore_mem>>)
        %run_scoped3A_283 = arith.constant 3 : i32
        "tpu.region"() ({
          %run_scoped3A_437 = tpu.sem_alloc : memref<!tpu.dma_semaphore, #tpu.memory_space<semaphore_mem>>
          %dma_start3A_438 = arith.constant 0 : i32
          %dma_start3A_439 = tpu.memref_slice %arg9[%run_scoped3A_283, %dma_start3A_438] : memref<8x80xi32, #tpu.memory_space<vmem>> -> memref<1x80xi32, #tpu.memory_space<vmem>>
          %dma_start3A_440 = tpu.memref_squeeze %dma_start3A_439 : memref<1x80xi32, #tpu.memory_space<vmem>> -> memref<80xi32, #tpu.memory_space<vmem>>
          %dma_start3A_441 = arith.constant 0 : i32
          %dma_start3A_442 = arith.constant 0 : i32
          %dma_start3A_443 = tpu.memref_slice %arg13[%dma_start3A_441, %dma_start3A_442] : memref<10000x128xf32, #tpu.memory_space<vmem_shared>> -> memref<10000x128xf32, #tpu.memory_space<vmem_shared>>
          tpu.enqueue_indirect_dma source(%arg11 : memref<80x128xf32, #tpu.memory_space<vmem>>) target(%dma_start3A_443 : memref<10000x128xf32, #tpu.memory_space<vmem_shared>>) offsets(%dma_start3A_440 : memref<80xi32, #tpu.memory_space<vmem>>) semaphore(%run_scoped3A_437 : memref<!tpu.dma_semaphore, #tpu.memory_space<semaphore_mem>>) {add = true}
          %dma_wait3A_444 = arith.constant 0 : i32
          %dma_wait3A_445 = tpu.memref_slice %arg9[%run_scoped3A_283, %dma_wait3A_444] : memref<8x80xi32, #tpu.memory_space<vmem>> -> memref<1x80xi32, #tpu.memory_space<vmem>>
          %dma_wait3A_446 = tpu.memref_squeeze %dma_wait3A_445 : memref<1x80xi32, #tpu.memory_space<vmem>> -> memref<80xi32, #tpu.memory_space<vmem>>
          %dma_wait3A_447 = arith.constant 0 : i32
          %dma_wait3A_448 = arith.constant 0 : i32
          %dma_wait3A_449 = tpu.memref_slice %arg13[%dma_wait3A_447, %dma_wait3A_448] : memref<10000x128xf32, #tpu.memory_space<vmem_shared>> -> memref<10000x128xf32, #tpu.memory_space<vmem_shared>>
          tpu.wait_indirect_dma semaphore(%run_scoped3A_437 : memref<!tpu.dma_semaphore, #tpu.memory_space<semaphore_mem>>) src(%arg11 : memref<80x128xf32, #tpu.memory_space<vmem>>) dst(%dma_wait3A_449 : memref<10000x128xf32, #tpu.memory_space<vmem_shared>>)
          tpu.yield
        }) : () -> ()
        %get3A_284 = arith.constant 3 : i32
        %get3A_285 = arith.index_cast %get3A_284 : i32 to index
        %get3A_286 = arith.constant 0 : index
        %get3A_287 = tpu.vector_load %arg9[%get3A_285, %get3A_286] {strides = array<i32>} : memref<8x80xi32, #tpu.memory_space<vmem>>, vector<16xi32>,
        tpu.vector_store_idx %arg12[%get3A_287], %broadcast_in_dim3A_34 {add = true} : memref<10000xf32, #tpu.memory_space<vmem>>[vector<16xi32>], vector<16xf32>,
        %get3A_288 = arith.constant 3 : i32
        %get3A_289 = arith.index_cast %get3A_288 : i32 to index
        %get3A_290 = arith.constant 16 : index
        %get3A_291 = tpu.vector_load %arg9[%get3A_289, %get3A_290] {strides = array<i32>} : memref<8x80xi32, #tpu.memory_space<vmem>>, vector<16xi32>,
        tpu.vector_store_idx %arg12[%get3A_291], %broadcast_in_dim3A_34 {add = true} : memref<10000xf32, #tpu.memory_space<vmem>>[vector<16xi32>], vector<16xf32>,
        %get3A_292 = arith.constant 3 : i32
        %get3A_293 = arith.index_cast %get3A_292 : i32 to index
        %get3A_294 = arith.constant 32 : index
        %get3A_295 = tpu.vector_load %arg9[%get3A_293, %get3A_294] {strides = array<i32>} : memref<8x80xi32, #tpu.memory_space<vmem>>, vector<16xi32>,
        tpu.vector_store_idx %arg12[%get3A_295], %broadcast_in_dim3A_34 {add = true} : memref<10000xf32, #tpu.memory_space<vmem>>[vector<16xi32>], vector<16xf32>,
        %get3A_296 = arith.constant 3 : i32
        %get3A_297 = arith.index_cast %get3A_296 : i32 to index
        %get3A_298 = arith.constant 48 : index
        %get3A_299 = tpu.vector_load %arg9[%get3A_297, %get3A_298] {strides = array<i32>} : memref<8x80xi32, #tpu.memory_space<vmem>>, vector<16xi32>,
        tpu.vector_store_idx %arg12[%get3A_299], %broadcast_in_dim3A_34 {add = true} : memref<10000xf32, #tpu.memory_space<vmem>>[vector<16xi32>], vector<16xf32>,
        %get3A_300 = arith.constant 3 : i32
        %get3A_301 = arith.index_cast %get3A_300 : i32 to index
        %get3A_302 = arith.constant 64 : index
        %get3A_303 = tpu.vector_load %arg9[%get3A_301, %get3A_302] {strides = array<i32>} : memref<8x80xi32, #tpu.memory_space<vmem>>, vector<16xi32>,
        tpu.vector_store_idx %arg12[%get3A_303], %broadcast_in_dim3A_34 {add = true} : memref<10000xf32, #tpu.memory_space<vmem>>[vector<16xi32>], vector<16xf32>,
        %dma_wait3A_304 = arith.constant 4 : i32
        %dma_wait3A_305 = arith.constant 0 : i32
        %dma_wait3A_306 = tpu.memref_slice %arg8[%dma_wait3A_304, %dma_wait3A_305] : memref<8x80xi32, #tpu.memory_space<vmem>> -> memref<1x80xi32, #tpu.memory_space<vmem>>
        %dma_wait3A_307 = tpu.memref_squeeze %dma_wait3A_306 : memref<1x80xi32, #tpu.memory_space<vmem>> -> memref<80xi32, #tpu.memory_space<vmem>>
        %dma_wait3A_308 = arith.constant 0 : i32
        %dma_wait3A_309 = arith.constant 0 : i32
        %dma_wait3A_310 = tpu.memref_slice %arg2[%dma_wait3A_308, %dma_wait3A_309] : memref<10000x128xf32, #tpu.memory_space<hbm>> -> memref<10000x128xf32, #tpu.memory_space<hbm>>
        tpu.wait_indirect_dma semaphore(%arg14 : memref<!tpu.dma_semaphore, #tpu.memory_space<semaphore_mem>>) src(%dma_wait3A_310 : memref<10000x128xf32, #tpu.memory_space<hbm>>) dst(%arg10 : memref<80x128xf32, #tpu.memory_space<vmem>>)
        %dma_start3A_311 = arith.constant 5 : i32
        %dma_start3A_312 = arith.constant 0 : i32
        %dma_start3A_313 = tpu.memref_slice %arg8[%dma_start3A_311, %dma_start3A_312] : memref<8x80xi32, #tpu.memory_space<vmem>> -> memref<1x80xi32, #tpu.memory_space<vmem>>
        %dma_start3A_314 = tpu.memref_squeeze %dma_start3A_313 : memref<1x80xi32, #tpu.memory_space<vmem>> -> memref<80xi32, #tpu.memory_space<vmem>>
        %dma_start3A_315 = arith.constant 0 : i32
        %dma_start3A_316 = arith.constant 0 : i32
        %dma_start3A_317 = tpu.memref_slice %arg2[%dma_start3A_315, %dma_start3A_316] : memref<10000x128xf32, #tpu.memory_space<hbm>> -> memref<10000x128xf32, #tpu.memory_space<hbm>>
        tpu.enqueue_indirect_dma source(%dma_start3A_317 : memref<10000x128xf32, #tpu.memory_space<hbm>>) target(%arg11 : memref<80x128xf32, #tpu.memory_space<vmem>>) offsets(%dma_start3A_314 : memref<80xi32, #tpu.memory_space<vmem>>) semaphore(%arg15 : memref<!tpu.dma_semaphore, #tpu.memory_space<semaphore_mem>>)
        %run_scoped3A_318 = arith.constant 4 : i32
        "tpu.region"() ({
          %run_scoped3A_437 = tpu.sem_alloc : memref<!tpu.dma_semaphore, #tpu.memory_space<semaphore_mem>>
          %dma_start3A_438 = arith.constant 0 : i32
          %dma_start3A_439 = tpu.memref_slice %arg9[%run_scoped3A_318, %dma_start3A_438] : memref<8x80xi32, #tpu.memory_space<vmem>> -> memref<1x80xi32, #tpu.memory_space<vmem>>
          %dma_start3A_440 = tpu.memref_squeeze %dma_start3A_439 : memref<1x80xi32, #tpu.memory_space<vmem>> -> memref<80xi32, #tpu.memory_space<vmem>>
          %dma_start3A_441 = arith.constant 0 : i32
          %dma_start3A_442 = arith.constant 0 : i32
          %dma_start3A_443 = tpu.memref_slice %arg13[%dma_start3A_441, %dma_start3A_442] : memref<10000x128xf32, #tpu.memory_space<vmem_shared>> -> memref<10000x128xf32, #tpu.memory_space<vmem_shared>>
          tpu.enqueue_indirect_dma source(%arg10 : memref<80x128xf32, #tpu.memory_space<vmem>>) target(%dma_start3A_443 : memref<10000x128xf32, #tpu.memory_space<vmem_shared>>) offsets(%dma_start3A_440 : memref<80xi32, #tpu.memory_space<vmem>>) semaphore(%run_scoped3A_437 : memref<!tpu.dma_semaphore, #tpu.memory_space<semaphore_mem>>) {add = true}
          %dma_wait3A_444 = arith.constant 0 : i32
          %dma_wait3A_445 = tpu.memref_slice %arg9[%run_scoped3A_318, %dma_wait3A_444] : memref<8x80xi32, #tpu.memory_space<vmem>> -> memref<1x80xi32, #tpu.memory_space<vmem>>
          %dma_wait3A_446 = tpu.memref_squeeze %dma_wait3A_445 : memref<1x80xi32, #tpu.memory_space<vmem>> -> memref<80xi32, #tpu.memory_space<vmem>>
          %dma_wait3A_447 = arith.constant 0 : i32
          %dma_wait3A_448 = arith.constant 0 : i32
          %dma_wait3A_449 = tpu.memref_slice %arg13[%dma_wait3A_447, %dma_wait3A_448] : memref<10000x128xf32, #tpu.memory_space<vmem_shared>> -> memref<10000x128xf32, #tpu.memory_space<vmem_shared>>
          tpu.wait_indirect_dma semaphore(%run_scoped3A_437 : memref<!tpu.dma_semaphore, #tpu.memory_space<semaphore_mem>>) src(%arg10 : memref<80x128xf32, #tpu.memory_space<vmem>>) dst(%dma_wait3A_449 : memref<10000x128xf32, #tpu.memory_space<vmem_shared>>)
          tpu.yield
        }) : () -> ()
        %get3A_319 = arith.constant 4 : i32
        %get3A_320 = arith.index_cast %get3A_319 : i32 to index
        %get3A_321 = arith.constant 0 : index
        %get3A_322 = tpu.vector_load %arg9[%get3A_320, %get3A_321] {strides = array<i32>} : memref<8x80xi32, #tpu.memory_space<vmem>>, vector<16xi32>,
        tpu.vector_store_idx %arg12[%get3A_322], %broadcast_in_dim3A_34 {add = true} : memref<10000xf32, #tpu.memory_space<vmem>>[vector<16xi32>], vector<16xf32>,
        %get3A_323 = arith.constant 4 : i32
        %get3A_324 = arith.index_cast %get3A_323 : i32 to index
        %get3A_325 = arith.constant 16 : index
        %get3A_326 = tpu.vector_load %arg9[%get3A_324, %get3A_325] {strides = array<i32>} : memref<8x80xi32, #tpu.memory_space<vmem>>, vector<16xi32>,
        tpu.vector_store_idx %arg12[%get3A_326], %broadcast_in_dim3A_34 {add = true} : memref<10000xf32, #tpu.memory_space<vmem>>[vector<16xi32>], vector<16xf32>,
        %get3A_327 = arith.constant 4 : i32
        %get3A_328 = arith.index_cast %get3A_327 : i32 to index
        %get3A_329 = arith.constant 32 : index
        %get3A_330 = tpu.vector_load %arg9[%get3A_328, %get3A_329] {strides = array<i32>} : memref<8x80xi32, #tpu.memory_space<vmem>>, vector<16xi32>,
        tpu.vector_store_idx %arg12[%get3A_330], %broadcast_in_dim3A_34 {add = true} : memref<10000xf32, #tpu.memory_space<vmem>>[vector<16xi32>], vector<16xf32>,
        %get3A_331 = arith.constant 4 : i32
        %get3A_332 = arith.index_cast %get3A_331 : i32 to index
        %get3A_333 = arith.constant 48 : index
        %get3A_334 = tpu.vector_load %arg9[%get3A_332, %get3A_333] {strides = array<i32>} : memref<8x80xi32, #tpu.memory_space<vmem>>, vector<16xi32>,
        tpu.vector_store_idx %arg12[%get3A_334], %broadcast_in_dim3A_34 {add = true} : memref<10000xf32, #tpu.memory_space<vmem>>[vector<16xi32>], vector<16xf32>,
        %get3A_335 = arith.constant 4 : i32
        %get3A_336 = arith.index_cast %get3A_335 : i32 to index
        %get3A_337 = arith.constant 64 : index
        %get3A_338 = tpu.vector_load %arg9[%get3A_336, %get3A_337] {strides = array<i32>} : memref<8x80xi32, #tpu.memory_space<vmem>>, vector<16xi32>,
        tpu.vector_store_idx %arg12[%get3A_338], %broadcast_in_dim3A_34 {add = true} : memref<10000xf32, #tpu.memory_space<vmem>>[vector<16xi32>], vector<16xf32>,
        %dma_wait3A_339 = arith.constant 5 : i32
        %dma_wait3A_340 = arith.constant 0 : i32
        %dma_wait3A_341 = tpu.memref_slice %arg8[%dma_wait3A_339, %dma_wait3A_340] : memref<8x80xi32, #tpu.memory_space<vmem>> -> memref<1x80xi32, #tpu.memory_space<vmem>>
        %dma_wait3A_342 = tpu.memref_squeeze %dma_wait3A_341 : memref<1x80xi32, #tpu.memory_space<vmem>> -> memref<80xi32, #tpu.memory_space<vmem>>
        %dma_wait3A_343 = arith.constant 0 : i32
        %dma_wait3A_344 = arith.constant 0 : i32
        %dma_wait3A_345 = tpu.memref_slice %arg2[%dma_wait3A_343, %dma_wait3A_344] : memref<10000x128xf32, #tpu.memory_space<hbm>> -> memref<10000x128xf32, #tpu.memory_space<hbm>>
        tpu.wait_indirect_dma semaphore(%arg15 : memref<!tpu.dma_semaphore, #tpu.memory_space<semaphore_mem>>) src(%dma_wait3A_345 : memref<10000x128xf32, #tpu.memory_space<hbm>>) dst(%arg11 : memref<80x128xf32, #tpu.memory_space<vmem>>)
        %dma_start3A_346 = arith.constant 6 : i32
        %dma_start3A_347 = arith.constant 0 : i32
        %dma_start3A_348 = tpu.memref_slice %arg8[%dma_start3A_346, %dma_start3A_347] : memref<8x80xi32, #tpu.memory_space<vmem>> -> memref<1x80xi32, #tpu.memory_space<vmem>>
        %dma_start3A_349 = tpu.memref_squeeze %dma_start3A_348 : memref<1x80xi32, #tpu.memory_space<vmem>> -> memref<80xi32, #tpu.memory_space<vmem>>
        %dma_start3A_350 = arith.constant 0 : i32
        %dma_start3A_351 = arith.constant 0 : i32
        %dma_start3A_352 = tpu.memref_slice %arg2[%dma_start3A_350, %dma_start3A_351] : memref<10000x128xf32, #tpu.memory_space<hbm>> -> memref<10000x128xf32, #tpu.memory_space<hbm>>
        tpu.enqueue_indirect_dma source(%dma_start3A_352 : memref<10000x128xf32, #tpu.memory_space<hbm>>) target(%arg10 : memref<80x128xf32, #tpu.memory_space<vmem>>) offsets(%dma_start3A_349 : memref<80xi32, #tpu.memory_space<vmem>>) semaphore(%arg14 : memref<!tpu.dma_semaphore, #tpu.memory_space<semaphore_mem>>)
        %run_scoped3A_353 = arith.constant 5 : i32
        "tpu.region"() ({
          %run_scoped3A_437 = tpu.sem_alloc : memref<!tpu.dma_semaphore, #tpu.memory_space<semaphore_mem>>
          %dma_start3A_438 = arith.constant 0 : i32
          %dma_start3A_439 = tpu.memref_slice %arg9[%run_scoped3A_353, %dma_start3A_438] : memref<8x80xi32, #tpu.memory_space<vmem>> -> memref<1x80xi32, #tpu.memory_space<vmem>>
          %dma_start3A_440 = tpu.memref_squeeze %dma_start3A_439 : memref<1x80xi32, #tpu.memory_space<vmem>> -> memref<80xi32, #tpu.memory_space<vmem>>
          %dma_start3A_441 = arith.constant 0 : i32
          %dma_start3A_442 = arith.constant 0 : i32
          %dma_start3A_443 = tpu.memref_slice %arg13[%dma_start3A_441, %dma_start3A_442] : memref<10000x128xf32, #tpu.memory_space<vmem_shared>> -> memref<10000x128xf32, #tpu.memory_space<vmem_shared>>
          tpu.enqueue_indirect_dma source(%arg11 : memref<80x128xf32, #tpu.memory_space<vmem>>) target(%dma_start3A_443 : memref<10000x128xf32, #tpu.memory_space<vmem_shared>>) offsets(%dma_start3A_440 : memref<80xi32, #tpu.memory_space<vmem>>) semaphore(%run_scoped3A_437 : memref<!tpu.dma_semaphore, #tpu.memory_space<semaphore_mem>>) {add = true}
          %dma_wait3A_444 = arith.constant 0 : i32
          %dma_wait3A_445 = tpu.memref_slice %arg9[%run_scoped3A_353, %dma_wait3A_444] : memref<8x80xi32, #tpu.memory_space<vmem>> -> memref<1x80xi32, #tpu.memory_space<vmem>>
          %dma_wait3A_446 = tpu.memref_squeeze %dma_wait3A_445 : memref<1x80xi32, #tpu.memory_space<vmem>> -> memref<80xi32, #tpu.memory_space<vmem>>
          %dma_wait3A_447 = arith.constant 0 : i32
          %dma_wait3A_448 = arith.constant 0 : i32
          %dma_wait3A_449 = tpu.memref_slice %arg13[%dma_wait3A_447, %dma_wait3A_448] : memref<10000x128xf32, #tpu.memory_space<vmem_shared>> -> memref<10000x128xf32, #tpu.memory_space<vmem_shared>>
          tpu.wait_indirect_dma semaphore(%run_scoped3A_437 : memref<!tpu.dma_semaphore, #tpu.memory_space<semaphore_mem>>) src(%arg11 : memref<80x128xf32, #tpu.memory_space<vmem>>) dst(%dma_wait3A_449 : memref<10000x128xf32, #tpu.memory_space<vmem_shared>>)
          tpu.yield
        }) : () -> ()
        %get3A_354 = arith.constant 5 : i32
        %get3A_355 = arith.index_cast %get3A_354 : i32 to index
        %get3A_356 = arith.constant 0 : index
        %get3A_357 = tpu.vector_load %arg9[%get3A_355, %get3A_356] {strides = array<i32>} : memref<8x80xi32, #tpu.memory_space<vmem>>, vector<16xi32>,
        tpu.vector_store_idx %arg12[%get3A_357], %broadcast_in_dim3A_34 {add = true} : memref<10000xf32, #tpu.memory_space<vmem>>[vector<16xi32>], vector<16xf32>,
        %get3A_358 = arith.constant 5 : i32
        %get3A_359 = arith.index_cast %get3A_358 : i32 to index
        %get3A_360 = arith.constant 16 : index
        %get3A_361 = tpu.vector_load %arg9[%get3A_359, %get3A_360] {strides = array<i32>} : memref<8x80xi32, #tpu.memory_space<vmem>>, vector<16xi32>,
        tpu.vector_store_idx %arg12[%get3A_361], %broadcast_in_dim3A_34 {add = true} : memref<10000xf32, #tpu.memory_space<vmem>>[vector<16xi32>], vector<16xf32>,
        %get3A_362 = arith.constant 5 : i32
        %get3A_363 = arith.index_cast %get3A_362 : i32 to index
        %get3A_364 = arith.constant 32 : index
        %get3A_365 = tpu.vector_load %arg9[%get3A_363, %get3A_364] {strides = array<i32>} : memref<8x80xi32, #tpu.memory_space<vmem>>, vector<16xi32>,
        tpu.vector_store_idx %arg12[%get3A_365], %broadcast_in_dim3A_34 {add = true} : memref<10000xf32, #tpu.memory_space<vmem>>[vector<16xi32>], vector<16xf32>,
        %get3A_366 = arith.constant 5 : i32
        %get3A_367 = arith.index_cast %get3A_366 : i32 to index
        %get3A_368 = arith.constant 48 : index
        %get3A_369 = tpu.vector_load %arg9[%get3A_367, %get3A_368] {strides = array<i32>} : memref<8x80xi32, #tpu.memory_space<vmem>>, vector<16xi32>,
        tpu.vector_store_idx %arg12[%get3A_369], %broadcast_in_dim3A_34 {add = true} : memref<10000xf32, #tpu.memory_space<vmem>>[vector<16xi32>], vector<16xf32>,
        %get3A_370 = arith.constant 5 : i32
        %get3A_371 = arith.index_cast %get3A_370 : i32 to index
        %get3A_372 = arith.constant 64 : index
        %get3A_373 = tpu.vector_load %arg9[%get3A_371, %get3A_372] {strides = array<i32>} : memref<8x80xi32, #tpu.memory_space<vmem>>, vector<16xi32>,
        tpu.vector_store_idx %arg12[%get3A_373], %broadcast_in_dim3A_34 {add = true} : memref<10000xf32, #tpu.memory_space<vmem>>[vector<16xi32>], vector<16xf32>,
        %dma_wait3A_374 = arith.constant 6 : i32
        %dma_wait3A_375 = arith.constant 0 : i32
        %dma_wait3A_376 = tpu.memref_slice %arg8[%dma_wait3A_374, %dma_wait3A_375] : memref<8x80xi32, #tpu.memory_space<vmem>> -> memref<1x80xi32, #tpu.memory_space<vmem>>
        %dma_wait3A_377 = tpu.memref_squeeze %dma_wait3A_376 : memref<1x80xi32, #tpu.memory_space<vmem>> -> memref<80xi32, #tpu.memory_space<vmem>>
        %dma_wait3A_378 = arith.constant 0 : i32
        %dma_wait3A_379 = arith.constant 0 : i32
        %dma_wait3A_380 = tpu.memref_slice %arg2[%dma_wait3A_378, %dma_wait3A_379] : memref<10000x128xf32, #tpu.memory_space<hbm>> -> memref<10000x128xf32, #tpu.memory_space<hbm>>
        tpu.wait_indirect_dma semaphore(%arg14 : memref<!tpu.dma_semaphore, #tpu.memory_space<semaphore_mem>>) src(%dma_wait3A_380 : memref<10000x128xf32, #tpu.memory_space<hbm>>) dst(%arg10 : memref<80x128xf32, #tpu.memory_space<vmem>>)
        %dma_start3A_381 = arith.constant 7 : i32
        %dma_start3A_382 = arith.constant 0 : i32
        %dma_start3A_383 = tpu.memref_slice %arg8[%dma_start3A_381, %dma_start3A_382] : memref<8x80xi32, #tpu.memory_space<vmem>> -> memref<1x80xi32, #tpu.memory_space<vmem>>
        %dma_start3A_384 = tpu.memref_squeeze %dma_start3A_383 : memref<1x80xi32, #tpu.memory_space<vmem>> -> memref<80xi32, #tpu.memory_space<vmem>>
        %dma_start3A_385 = arith.constant 0 : i32
        %dma_start3A_386 = arith.constant 0 : i32
        %dma_start3A_387 = tpu.memref_slice %arg2[%dma_start3A_385, %dma_start3A_386] : memref<10000x128xf32, #tpu.memory_space<hbm>> -> memref<10000x128xf32, #tpu.memory_space<hbm>>
        tpu.enqueue_indirect_dma source(%dma_start3A_387 : memref<10000x128xf32, #tpu.memory_space<hbm>>) target(%arg11 : memref<80x128xf32, #tpu.memory_space<vmem>>) offsets(%dma_start3A_384 : memref<80xi32, #tpu.memory_space<vmem>>) semaphore(%arg15 : memref<!tpu.dma_semaphore, #tpu.memory_space<semaphore_mem>>)
        %run_scoped3A_388 = arith.constant 6 : i32
        "tpu.region"() ({
          %run_scoped3A_437 = tpu.sem_alloc : memref<!tpu.dma_semaphore, #tpu.memory_space<semaphore_mem>>
          %dma_start3A_438 = arith.constant 0 : i32
          %dma_start3A_439 = tpu.memref_slice %arg9[%run_scoped3A_388, %dma_start3A_438] : memref<8x80xi32, #tpu.memory_space<vmem>> -> memref<1x80xi32, #tpu.memory_space<vmem>>
          %dma_start3A_440 = tpu.memref_squeeze %dma_start3A_439 : memref<1x80xi32, #tpu.memory_space<vmem>> -> memref<80xi32, #tpu.memory_space<vmem>>
          %dma_start3A_441 = arith.constant 0 : i32
          %dma_start3A_442 = arith.constant 0 : i32
          %dma_start3A_443 = tpu.memref_slice %arg13[%dma_start3A_441, %dma_start3A_442] : memref<10000x128xf32, #tpu.memory_space<vmem_shared>> -> memref<10000x128xf32, #tpu.memory_space<vmem_shared>>
          tpu.enqueue_indirect_dma source(%arg10 : memref<80x128xf32, #tpu.memory_space<vmem>>) target(%dma_start3A_443 : memref<10000x128xf32, #tpu.memory_space<vmem_shared>>) offsets(%dma_start3A_440 : memref<80xi32, #tpu.memory_space<vmem>>) semaphore(%run_scoped3A_437 : memref<!tpu.dma_semaphore, #tpu.memory_space<semaphore_mem>>) {add = true}
          %dma_wait3A_444 = arith.constant 0 : i32
          %dma_wait3A_445 = tpu.memref_slice %arg9[%run_scoped3A_388, %dma_wait3A_444] : memref<8x80xi32, #tpu.memory_space<vmem>> -> memref<1x80xi32, #tpu.memory_space<vmem>>
          %dma_wait3A_446 = tpu.memref_squeeze %dma_wait3A_445 : memref<1x80xi32, #tpu.memory_space<vmem>> -> memref<80xi32, #tpu.memory_space<vmem>>
          %dma_wait3A_447 = arith.constant 0 : i32
          %dma_wait3A_448 = arith.constant 0 : i32
          %dma_wait3A_449 = tpu.memref_slice %arg13[%dma_wait3A_447, %dma_wait3A_448] : memref<10000x128xf32, #tpu.memory_space<vmem_shared>> -> memref<10000x128xf32, #tpu.memory_space<vmem_shared>>
          tpu.wait_indirect_dma semaphore(%run_scoped3A_437 : memref<!tpu.dma_semaphore, #tpu.memory_space<semaphore_mem>>) src(%arg10 : memref<80x128xf32, #tpu.memory_space<vmem>>) dst(%dma_wait3A_449 : memref<10000x128xf32, #tpu.memory_space<vmem_shared>>)
          tpu.yield
        }) : () -> ()
        %get3A_389 = arith.constant 6 : i32
        %get3A_390 = arith.index_cast %get3A_389 : i32 to index
        %get3A_391 = arith.constant 0 : index
        %get3A_392 = tpu.vector_load %arg9[%get3A_390, %get3A_391] {strides = array<i32>} : memref<8x80xi32, #tpu.memory_space<vmem>>, vector<16xi32>,
        tpu.vector_store_idx %arg12[%get3A_392], %broadcast_in_dim3A_34 {add = true} : memref<10000xf32, #tpu.memory_space<vmem>>[vector<16xi32>], vector<16xf32>,
        %get3A_393 = arith.constant 6 : i32
        %get3A_394 = arith.index_cast %get3A_393 : i32 to index
        %get3A_395 = arith.constant 16 : index
        %get3A_396 = tpu.vector_load %arg9[%get3A_394, %get3A_395] {strides = array<i32>} : memref<8x80xi32, #tpu.memory_space<vmem>>, vector<16xi32>,
        tpu.vector_store_idx %arg12[%get3A_396], %broadcast_in_dim3A_34 {add = true} : memref<10000xf32, #tpu.memory_space<vmem>>[vector<16xi32>], vector<16xf32>,
        %get3A_397 = arith.constant 6 : i32
        %get3A_398 = arith.index_cast %get3A_397 : i32 to index
        %get3A_399 = arith.constant 32 : index
        %get3A_400 = tpu.vector_load %arg9[%get3A_398, %get3A_399] {strides = array<i32>} : memref<8x80xi32, #tpu.memory_space<vmem>>, vector<16xi32>,
        tpu.vector_store_idx %arg12[%get3A_400], %broadcast_in_dim3A_34 {add = true} : memref<10000xf32, #tpu.memory_space<vmem>>[vector<16xi32>], vector<16xf32>,
        %get3A_401 = arith.constant 6 : i32
        %get3A_402 = arith.index_cast %get3A_401 : i32 to index
        %get3A_403 = arith.constant 48 : index
        %get3A_404 = tpu.vector_load %arg9[%get3A_402, %get3A_403] {strides = array<i32>} : memref<8x80xi32, #tpu.memory_space<vmem>>, vector<16xi32>,
        tpu.vector_store_idx %arg12[%get3A_404], %broadcast_in_dim3A_34 {add = true} : memref<10000xf32, #tpu.memory_space<vmem>>[vector<16xi32>], vector<16xf32>,
        %get3A_405 = arith.constant 6 : i32
        %get3A_406 = arith.index_cast %get3A_405 : i32 to index
        %get3A_407 = arith.constant 64 : index
        %get3A_408 = tpu.vector_load %arg9[%get3A_406, %get3A_407] {strides = array<i32>} : memref<8x80xi32, #tpu.memory_space<vmem>>, vector<16xi32>,
        tpu.vector_store_idx %arg12[%get3A_408], %broadcast_in_dim3A_34 {add = true} : memref<10000xf32, #tpu.memory_space<vmem>>[vector<16xi32>], vector<16xf32>,
        %dma_wait3A_409 = arith.constant 7 : i32
        %dma_wait3A_410 = arith.constant 0 : i32
        %dma_wait3A_411 = tpu.memref_slice %arg8[%dma_wait3A_409, %dma_wait3A_410] : memref<8x80xi32, #tpu.memory_space<vmem>> -> memref<1x80xi32, #tpu.memory_space<vmem>>
        %dma_wait3A_412 = tpu.memref_squeeze %dma_wait3A_411 : memref<1x80xi32, #tpu.memory_space<vmem>> -> memref<80xi32, #tpu.memory_space<vmem>>
        %dma_wait3A_413 = arith.constant 0 : i32
        %dma_wait3A_414 = arith.constant 0 : i32
        %dma_wait3A_415 = tpu.memref_slice %arg2[%dma_wait3A_413, %dma_wait3A_414] : memref<10000x128xf32, #tpu.memory_space<hbm>> -> memref<10000x128xf32, #tpu.memory_space<hbm>>
        tpu.wait_indirect_dma semaphore(%arg15 : memref<!tpu.dma_semaphore, #tpu.memory_space<semaphore_mem>>) src(%dma_wait3A_415 : memref<10000x128xf32, #tpu.memory_space<hbm>>) dst(%arg11 : memref<80x128xf32, #tpu.memory_space<vmem>>)
        %run_scoped3A_416 = arith.constant 7 : i32
        "tpu.region"() ({
          %run_scoped3A_437 = tpu.sem_alloc : memref<!tpu.dma_semaphore, #tpu.memory_space<semaphore_mem>>
          %dma_start3A_438 = arith.constant 0 : i32
          %dma_start3A_439 = tpu.memref_slice %arg9[%run_scoped3A_416, %dma_start3A_438] : memref<8x80xi32, #tpu.memory_space<vmem>> -> memref<1x80xi32, #tpu.memory_space<vmem>>
          %dma_start3A_440 = tpu.memref_squeeze %dma_start3A_439 : memref<1x80xi32, #tpu.memory_space<vmem>> -> memref<80xi32, #tpu.memory_space<vmem>>
          %dma_start3A_441 = arith.constant 0 : i32
          %dma_start3A_442 = arith.constant 0 : i32
          %dma_start3A_443 = tpu.memref_slice %arg13[%dma_start3A_441, %dma_start3A_442] : memref<10000x128xf32, #tpu.memory_space<vmem_shared>> -> memref<10000x128xf32, #tpu.memory_space<vmem_shared>>
          tpu.enqueue_indirect_dma source(%arg11 : memref<80x128xf32, #tpu.memory_space<vmem>>) target(%dma_start3A_443 : memref<10000x128xf32, #tpu.memory_space<vmem_shared>>) offsets(%dma_start3A_440 : memref<80xi32, #tpu.memory_space<vmem>>) semaphore(%run_scoped3A_437 : memref<!tpu.dma_semaphore, #tpu.memory_space<semaphore_mem>>) {add = true}
          %dma_wait3A_444 = arith.constant 0 : i32
          %dma_wait3A_445 = tpu.memref_slice %arg9[%run_scoped3A_416, %dma_wait3A_444] : memref<8x80xi32, #tpu.memory_space<vmem>> -> memref<1x80xi32, #tpu.memory_space<vmem>>
          %dma_wait3A_446 = tpu.memref_squeeze %dma_wait3A_445 : memref<1x80xi32, #tpu.memory_space<vmem>> -> memref<80xi32, #tpu.memory_space<vmem>>
          %dma_wait3A_447 = arith.constant 0 : i32
          %dma_wait3A_448 = arith.constant 0 : i32
          %dma_wait3A_449 = tpu.memref_slice %arg13[%dma_wait3A_447, %dma_wait3A_448] : memref<10000x128xf32, #tpu.memory_space<vmem_shared>> -> memref<10000x128xf32, #tpu.memory_space<vmem_shared>>
          tpu.wait_indirect_dma semaphore(%run_scoped3A_437 : memref<!tpu.dma_semaphore, #tpu.memory_space<semaphore_mem>>) src(%arg11 : memref<80x128xf32, #tpu.memory_space<vmem>>) dst(%dma_wait3A_449 : memref<10000x128xf32, #tpu.memory_space<vmem_shared>>)
          tpu.yield
        }) : () -> ()
        %get3A_417 = arith.constant 7 : i32
        %get3A_418 = arith.index_cast %get3A_417 : i32 to index
        %get3A_419 = arith.constant 0 : index
        %get3A_420 = tpu.vector_load %arg9[%get3A_418, %get3A_419] {strides = array<i32>} : memref<8x80xi32, #tpu.memory_space<vmem>>, vector<16xi32>,
        tpu.vector_store_idx %arg12[%get3A_420], %broadcast_in_dim3A_34 {add = true} : memref<10000xf32, #tpu.memory_space<vmem>>[vector<16xi32>], vector<16xf32>,
        %get3A_421 = arith.constant 7 : i32
        %get3A_422 = arith.index_cast %get3A_421 : i32 to index
        %get3A_423 = arith.constant 16 : index
        %get3A_424 = tpu.vector_load %arg9[%get3A_422, %get3A_423] {strides = array<i32>} : memref<8x80xi32, #tpu.memory_space<vmem>>, vector<16xi32>,
        tpu.vector_store_idx %arg12[%get3A_424], %broadcast_in_dim3A_34 {add = true} : memref<10000xf32, #tpu.memory_space<vmem>>[vector<16xi32>], vector<16xf32>,
        %get3A_425 = arith.constant 7 : i32
        %get3A_426 = arith.index_cast %get3A_425 : i32 to index
        %get3A_427 = arith.constant 32 : index
        %get3A_428 = tpu.vector_load %arg9[%get3A_426, %get3A_427] {strides = array<i32>} : memref<8x80xi32, #tpu.memory_space<vmem>>, vector<16xi32>,
        tpu.vector_store_idx %arg12[%get3A_428], %broadcast_in_dim3A_34 {add = true} : memref<10000xf32, #tpu.memory_space<vmem>>[vector<16xi32>], vector<16xf32>,
        %get3A_429 = arith.constant 7 : i32
        %get3A_430 = arith.index_cast %get3A_429 : i32 to index
        %get3A_431 = arith.constant 48 : index
        %get3A_432 = tpu.vector_load %arg9[%get3A_430, %get3A_431] {strides = array<i32>} : memref<8x80xi32, #tpu.memory_space<vmem>>, vector<16xi32>,
        tpu.vector_store_idx %arg12[%get3A_432], %broadcast_in_dim3A_34 {add = true} : memref<10000xf32, #tpu.memory_space<vmem>>[vector<16xi32>], vector<16xf32>,
        %get3A_433 = arith.constant 7 : i32
        %get3A_434 = arith.index_cast %get3A_433 : i32 to index
        %get3A_435 = arith.constant 64 : index
        %get3A_436 = tpu.vector_load %arg9[%get3A_434, %get3A_435] {strides = array<i32>} : memref<8x80xi32, #tpu.memory_space<vmem>>, vector<16xi32>,
        tpu.vector_store_idx %arg12[%get3A_436], %broadcast_in_dim3A_34 {add = true} : memref<10000xf32, #tpu.memory_space<vmem>>[vector<16xi32>], vector<16xf32>,
      } else {
      }
    }
    %scan3A_71 = arith.constant 8 : i32
    %run_scoped3A = arith.constant 0 : i32
    "tpu.region"() ({
      %run_scoped3A_78 = tpu.sem_alloc : memref<!tpu.dma_semaphore, #tpu.memory_space<semaphore_mem>>
      %dma_start3A_79 = arith.constant 0 : i32
      %dma_start3A_80 = tpu.memref_slice %arg5[%add3A, %run_scoped3A, %dma_start3A_79] : memref<32x1x10000xf32, #tpu.memory_space<hbm>> -> memref<1x1x10000xf32, #tpu.memory_space<hbm>>
      %dma_start3A_81 = tpu.memref_squeeze %dma_start3A_80 : memref<1x1x10000xf32, #tpu.memory_space<hbm>> -> memref<10000xf32, #tpu.memory_space<hbm>>
      %dma_start3A_82 = arith.constant 0 : i32
      %dma_start3A_83 = tpu.memref_slice %arg5[%add3A, %run_scoped3A, %dma_start3A_82] : memref<32x1x10000xf32, #tpu.memory_space<hbm>> -> memref<1x1x10000xf32, #tpu.memory_space<hbm>>
      %dma_start3A_84 = tpu.memref_squeeze %dma_start3A_83 : memref<1x1x10000xf32, #tpu.memory_space<hbm>> -> memref<10000xf32, #tpu.memory_space<hbm>>
      tpu.enqueue_dma source(%arg12 : memref<10000xf32, #tpu.memory_space<vmem>>) target(%dma_start3A_84 : memref<10000xf32, #tpu.memory_space<hbm>>) target_semaphore(%run_scoped3A_78 : memref<!tpu.dma_semaphore, #tpu.memory_space<semaphore_mem>>)
      %dma_wait3A = arith.constant 0 : i32
      %dma_wait3A_85 = tpu.memref_slice %arg5[%add3A, %run_scoped3A, %dma_wait3A] : memref<32x1x10000xf32, #tpu.memory_space<hbm>> -> memref<1x1x10000xf32, #tpu.memory_space<hbm>>
      %dma_wait3A_86 = tpu.memref_squeeze %dma_wait3A_85 : memref<1x1x10000xf32, #tpu.memory_space<hbm>> -> memref<10000xf32, #tpu.memory_space<hbm>>
      %dma_wait3A_87 = arith.constant 0 : i32
      %dma_wait3A_88 = tpu.memref_slice %arg5[%add3A, %run_scoped3A, %dma_wait3A_87] : memref<32x1x10000xf32, #tpu.memory_space<hbm>> -> memref<1x1x10000xf32, #tpu.memory_space<hbm>>
      %dma_wait3A_89 = tpu.memref_squeeze %dma_wait3A_88 : memref<1x1x10000xf32, #tpu.memory_space<hbm>> -> memref<10000xf32, #tpu.memory_space<hbm>>
      tpu.wait_dma2 semaphore(%run_scoped3A_78 : memref<!tpu.dma_semaphore, #tpu.memory_space<semaphore_mem>>) src(%arg12 : memref<10000xf32, #tpu.memory_space<vmem>>) dst(%dma_wait3A_89 : memref<10000xf32, #tpu.memory_space<hbm>>)
      tpu.yield
    }) : () -> ()
    %barrier3A_72 = arith.constant 0 : index
    tpu.barrier barrier_id(%barrier3A_72)
    "tpu.region"() ({
      %run_scoped3A_78 = tpu.sem_alloc : memref<!tpu.dma_semaphore, #tpu.memory_space<semaphore_mem>>
      %dma_start3A_79 = arith.constant 0 : i32
      %dma_start3A_80 = tpu.memref_slice %arg4[%arg0, %mul3A_2, %dma_start3A_79] : memref<2x10000x128xf32, #tpu.memory_space<hbm>> -> memref<1x624x128xf32, #tpu.memory_space<hbm>>
      %dma_start3A_81 = tpu.memref_squeeze %dma_start3A_80 : memref<1x624x128xf32, #tpu.memory_space<hbm>> -> memref<624x128xf32, #tpu.memory_space<hbm>>
      %dma_start3A_82 = arith.constant 0 : i32
      %dma_start3A_83 = tpu.memref_slice %arg13[%mul3A_2, %dma_start3A_82] : memref<10000x128xf32, #tpu.memory_space<vmem_shared>> -> memref<624x128xf32, #tpu.memory_space<vmem_shared>>
      tpu.enqueue_dma source(%dma_start3A_83 : memref<624x128xf32, #tpu.memory_space<vmem_shared>>) target(%dma_start3A_81 : memref<624x128xf32, #tpu.memory_space<hbm>>) target_semaphore(%run_scoped3A_78 : memref<!tpu.dma_semaphore, #tpu.memory_space<semaphore_mem>>)
      %dma_wait3A = arith.constant 0 : i32
      %dma_wait3A_84 = tpu.memref_slice %arg4[%arg0, %mul3A_2, %dma_wait3A] : memref<2x10000x128xf32, #tpu.memory_space<hbm>> -> memref<1x624x128xf32, #tpu.memory_space<hbm>>
      %dma_wait3A_85 = tpu.memref_squeeze %dma_wait3A_84 : memref<1x624x128xf32, #tpu.memory_space<hbm>> -> memref<624x128xf32, #tpu.memory_space<hbm>>
      %dma_wait3A_86 = arith.constant 0 : i32
      %dma_wait3A_87 = tpu.memref_slice %arg13[%mul3A_2, %dma_wait3A_86] : memref<10000x128xf32, #tpu.memory_space<vmem_shared>> -> memref<624x128xf32, #tpu.memory_space<vmem_shared>>
      tpu.wait_dma2 semaphore(%run_scoped3A_78 : memref<!tpu.dma_semaphore, #tpu.memory_space<semaphore_mem>>) src(%dma_wait3A_87 : memref<624x128xf32, #tpu.memory_space<vmem_shared>>) dst(%dma_wait3A_85 : memref<624x128xf32, #tpu.memory_space<hbm>>)
      tpu.yield
    }) : () -> ()
    %eq3A_73 = arith.constant 0 : i32
    %eq3A_74 = arith.cmpi eq, %arg1, %eq3A_73 : i32
    %convert_element_type3A_75 = arith.extui %eq3A_74 : i1 to i32
    %cond3A_76 = arith.constant 0 : i32
    %cond3A_77 = arith.cmpi ne, %convert_element_type3A_75, %cond3A_76 : i32
    scf.if %cond3A_77 {
      "tpu.region"() ({
        %run_scoped3A_78 = tpu.sem_alloc : memref<!tpu.dma_semaphore, #tpu.memory_space<semaphore_mem>>
        %dma_start3A_79 = arith.constant 9984 : i32
        %dma_start3A_80 = arith.constant 0 : i32
        %dma_start3A_81 = tpu.memref_slice %arg4[%arg0, %dma_start3A_79, %dma_start3A_80] : memref<2x10000x128xf32, #tpu.memory_space<hbm>> -> memref<1x16x128xf32, #tpu.memory_space<hbm>>
        %dma_start3A_82 = tpu.memref_squeeze %dma_start3A_81 : memref<1x16x128xf32, #tpu.memory_space<hbm>> -> memref<16x128xf32, #tpu.memory_space<hbm>>
        %dma_start3A_83 = arith.constant 9984 : i32
        %dma_start3A_84 = arith.constant 0 : i32
        %dma_start3A_85 = tpu.memref_slice %arg13[%dma_start3A_83, %dma_start3A_84] : memref<10000x128xf32, #tpu.memory_space<vmem_shared>> -> memref<16x128xf32, #tpu.memory_space<vmem_shared>>
        tpu.enqueue_dma source(%dma_start3A_85 : memref<16x128xf32, #tpu.memory_space<vmem_shared>>) target(%dma_start3A_82 : memref<16x128xf32, #tpu.memory_space<hbm>>) target_semaphore(%run_scoped3A_78 : memref<!tpu.dma_semaphore, #tpu.memory_space<semaphore_mem>>)
        %dma_wait3A = arith.constant 9984 : i32
        %dma_wait3A_86 = arith.constant 0 : i32
        %dma_wait3A_87 = tpu.memref_slice %arg4[%arg0, %dma_wait3A, %dma_wait3A_86] : memref<2x10000x128xf32, #tpu.memory_space<hbm>> -> memref<1x16x128xf32, #tpu.memory_space<hbm>>
        %dma_wait3A_88 = tpu.memref_squeeze %dma_wait3A_87 : memref<1x16x128xf32, #tpu.memory_space<hbm>> -> memref<16x128xf32, #tpu.memory_space<hbm>>
        %dma_wait3A_89 = arith.constant 9984 : i32
        %dma_wait3A_90 = arith.constant 0 : i32
        %dma_wait3A_91 = tpu.memref_slice %arg13[%dma_wait3A_89, %dma_wait3A_90] : memref<10000x128xf32, #tpu.memory_space<vmem_shared>> -> memref<16x128xf32, #tpu.memory_space<vmem_shared>>
        tpu.wait_dma2 semaphore(%run_scoped3A_78 : memref<!tpu.dma_semaphore, #tpu.memory_space<semaphore_mem>>) src(%dma_wait3A_91 : memref<16x128xf32, #tpu.memory_space<vmem_shared>>) dst(%dma_wait3A_88 : memref<16x128xf32, #tpu.memory_space<hbm>>)
        tpu.yield
      }) : () -> ()
    } else {
    }
    return
  }
}

module attributes {stable_mosaic.version = 14 : i64} {
  func.func @_tc_body(%arg0: memref<2x10000x128xf32, #tpu.memory_space<vmem>>, %arg1: memref<32x10000xf32, #tpu.memory_space<vmem>>, %arg2: memref<10000x128xf32, #tpu.memory_space<vmem>>, %arg3: memref<128x128xf32, #tpu.memory_space<vmem>>, %arg4: memref<1x128xf32, #tpu.memory_space<vmem>>, %arg5: memref<128x128xf32, #tpu.memory_space<vmem>>, %arg6: memref<10000x1xi32, #tpu.memory_space<vmem>>, %arg7: memref<16x128xf32, #tpu.memory_space<vmem>>) attributes {dimension_semantics = [], scalar_prefetch = 0 : i64, scratch_operands = 0 : i64, tpu.core_type = #tpu.core_type<tc>} {
    %get3A = arith.constant 0 : index
    %get3A_0 = arith.constant 0 : index
    %get3A_1 = arith.constant 0 : index
    %get3A_2 = vector.load %arg0[%get3A, %get3A_0, %get3A_1] : memref<2x10000x128xf32, #tpu.memory_space<vmem>>, vector<1x10000x128xf32>
    %get3A_3 = vector.shape_cast %get3A_2 : vector<1x10000x128xf32> to vector<10000x128xf32>
    %get3A_4 = arith.constant 1 : index
    %get3A_5 = arith.constant 0 : index
    %get3A_6 = arith.constant 0 : index
    %get3A_7 = vector.load %arg0[%get3A_4, %get3A_5, %get3A_6] : memref<2x10000x128xf32, #tpu.memory_space<vmem>>, vector<1x10000x128xf32>
    %get3A_8 = vector.shape_cast %get3A_7 : vector<1x10000x128xf32> to vector<10000x128xf32>
    %add3A = arith.addf %get3A_3, %get3A_8 : vector<10000x128xf32>
    %get3A_9 = arith.constant 0 : index
    %get3A_10 = arith.constant 0 : index
    %get3A_11 = vector.load %arg1[%get3A_9, %get3A_10] : memref<32x10000xf32, #tpu.memory_space<vmem>>, vector<32x10000xf32>
    %broadcast_in_dim3A = arith.constant 1.000000e+00 : f32
    %broadcast_in_dim3A_12 = vector.broadcast %broadcast_in_dim3A : f32 to vector<32x1xf32>
    %dot_general3A = arith.constant dense<0.000000e+00> : vector<10000x1xf32>
    %dot_general3A_13 = tpu.matmul %get3A_11, %broadcast_in_dim3A_12, %dot_general3A {dimension_numbers = #tpu.dot_dimension_numbers<[0], [0], [1], [1], [0, 1, 1, 1], [], []>, transpose_lhs_hint = false} : vector<32x10000xf32>, vector<32x1xf32>, vector<10000x1xf32> -> vector<10000x1xf32>
    %max3A = arith.constant 1.000000e+00 : f32
    %max3A_14 = vector.broadcast %max3A : f32 to vector<10000x1xf32>
    %max3A_15 = arith.maximumf %dot_general3A_13, %max3A_14 : vector<10000x1xf32>
    %div3A = vector.broadcast %max3A_15 : vector<10000x1xf32> to vector<10000x128xf32>
    %div3A_16 = arith.divf %add3A, %div3A : vector<10000x128xf32>
    %convert_element_type3A = arith.truncf %div3A_16 : vector<10000x128xf32> to vector<10000x128xbf16>
    %get3A_17 = arith.constant 0 : index
    %get3A_18 = arith.constant 0 : index
    %get3A_19 = vector.load %arg3[%get3A_17, %get3A_18] : memref<128x128xf32, #tpu.memory_space<vmem>>, vector<128x128xf32>
    %convert_element_type3A_20 = arith.truncf %get3A_19 : vector<128x128xf32> to vector<128x128xbf16>
    %dot_general3A_21 = arith.constant dense<0.000000e+00> : vector<10000x128xf32>
    %dot_general3A_22 = tpu.matmul %convert_element_type3A, %convert_element_type3A_20, %dot_general3A_21 {dimension_numbers = #tpu.dot_dimension_numbers<[1], [1], [0], [0], [0, 0, 1, 0], [], []>, transpose_lhs_hint = false} : vector<10000x128xbf16>, vector<128x128xbf16>, vector<10000x128xf32> -> vector<10000x128xf32>
    %get3A_23 = arith.constant 0 : index
    %get3A_24 = arith.constant 0 : index
    %get3A_25 = vector.load %arg2[%get3A_23, %get3A_24] : memref<10000x128xf32, #tpu.memory_space<vmem>>, vector<10000x128xf32>
    %convert_element_type3A_26 = arith.truncf %get3A_25 : vector<10000x128xf32> to vector<10000x128xbf16>
    %get3A_27 = arith.constant 0 : index
    %get3A_28 = arith.constant 0 : index
    %get3A_29 = vector.load %arg5[%get3A_27, %get3A_28] : memref<128x128xf32, #tpu.memory_space<vmem>>, vector<128x128xf32>
    %convert_element_type3A_30 = arith.truncf %get3A_29 : vector<128x128xf32> to vector<128x128xbf16>
    %dot_general3A_31 = arith.constant dense<0.000000e+00> : vector<10000x128xf32>
    %dot_general3A_32 = tpu.matmul %convert_element_type3A_26, %convert_element_type3A_30, %dot_general3A_31 {dimension_numbers = #tpu.dot_dimension_numbers<[1], [1], [0], [0], [0, 0, 1, 0], [], []>, transpose_lhs_hint = false} : vector<10000x128xbf16>, vector<128x128xbf16>, vector<10000x128xf32> -> vector<10000x128xf32>
    %add3A_33 = arith.addf %dot_general3A_22, %dot_general3A_32 : vector<10000x128xf32>
    %get3A_34 = arith.constant 0 : index
    %get3A_35 = arith.constant 0 : index
    %get3A_36 = vector.load %arg4[%get3A_34, %get3A_35] : memref<1x128xf32, #tpu.memory_space<vmem>>, vector<1x128xf32>
    %add3A_37 = vector.broadcast %get3A_36 : vector<1x128xf32> to vector<10000x128xf32>
    %add3A_38 = arith.addf %add3A_33, %add3A_37 : vector<10000x128xf32>
    %tanh3A = math.tanh %add3A_38 : vector<10000x128xf32>
    %get3A_39 = arith.constant 0 : index
    %get3A_40 = arith.constant 0 : index
    %get3A_41 = vector.load %arg6[%get3A_39, %get3A_40] : memref<10000x1xi32, #tpu.memory_space<vmem>>, vector<10000x1xi32>
    %iota3A = tpu.iota {dimensions = array<i32: 1>} : vector<10000x16xi32>
    %eq3A = vector.broadcast %get3A_41 : vector<10000x1xi32> to vector<10000x16xi32>
    %eq3A_42 = arith.cmpi eq, %eq3A, %iota3A : vector<10000x16xi32>
    %convert_element_type3A_43 = arith.extui %eq3A_42 : vector<10000x16xi1> to vector<10000x16xi32>
    %convert_element_type3A_44 = arith.sitofp %convert_element_type3A_43 : vector<10000x16xi32> to vector<10000x16xf32>
    %convert_element_type3A_45 = arith.truncf %convert_element_type3A_44 : vector<10000x16xf32> to vector<10000x16xbf16>
    %convert_element_type3A_46 = arith.truncf %tanh3A : vector<10000x128xf32> to vector<10000x128xbf16>
    %dot_general3A_47 = arith.constant dense<0.000000e+00> : vector<16x128xf32>
    %dot_general3A_48 = tpu.matmul %convert_element_type3A_45, %convert_element_type3A_46, %dot_general3A_47 {dimension_numbers = #tpu.dot_dimension_numbers<[0], [0], [1], [1], [0, 1, 1, 1], [], []>, transpose_lhs_hint = false} : vector<10000x16xbf16>, vector<10000x128xbf16>, vector<16x128xf32> -> vector<16x128xf32>
    %broadcast_in_dim3A_49 = arith.constant 1.000000e+00 : bf16
    %broadcast_in_dim3A_50 = vector.broadcast %broadcast_in_dim3A_49 : bf16 to vector<10000x1xbf16>
    %dot_general3A_51 = arith.constant dense<0.000000e+00> : vector<16x1xf32>
    %dot_general3A_52 = tpu.matmul %convert_element_type3A_45, %broadcast_in_dim3A_50, %dot_general3A_51 {dimension_numbers = #tpu.dot_dimension_numbers<[0], [0], [1], [1], [0, 1, 1, 1], [], []>, transpose_lhs_hint = false} : vector<10000x16xbf16>, vector<10000x1xbf16>, vector<16x1xf32> -> vector<16x1xf32>
    %max3A_53 = arith.constant 1.000000e+00 : f32
    %max3A_54 = vector.broadcast %max3A_53 : f32 to vector<16x1xf32>
    %max3A_55 = arith.maximumf %dot_general3A_52, %max3A_54 : vector<16x1xf32>
    %div3A_56 = vector.broadcast %max3A_55 : vector<16x1xf32> to vector<16x128xf32>
    %div3A_57 = arith.divf %dot_general3A_48, %div3A_56 : vector<16x128xf32>
    %swap3A = arith.constant 0 : index
    %swap3A_58 = arith.constant 0 : index
    %swap3A_59 = vector.load %arg7[%swap3A, %swap3A_58] : memref<16x128xf32, #tpu.memory_space<vmem>>, vector<16x128xf32>
    tpu.vector_store %arg7[%swap3A, %swap3A_58], %div3A_57 {strides = array<i32>} : memref<16x128xf32, #tpu.memory_space<vmem>>, vector<16x128xf32>,
    return
  }
}

</mosaic_0001>

<sc_bundles>
// kernel: kernel.4.cloned.1.call-start
scs
__scs_entry_jumppad:
0x0: {  	(pc) =	sbr.rel $0x88, $3  }
0x1: {  	(tag) =	ssettag $0x0;
	lr =	simm.s32 $0x1  }
0x2: {  	[smem:$0x3F9B] =	sst lr;
	_ =	strace $0xD0000000  }
0x3: {  	_ = 	snop  }
0x4: {  	_ = 	snop  }
0x5: {  	_ = 	snop  }
0x6: {  	_ = 	snop  }
0x7: {  	_ = 	snop  }
__scs_overlays_trampoline_lowered:
0x8: {  	[smem:$0x3FAA] =	sst s0  }
0x9: {  	[smem:$0x3FAB] =	sst s1  }
0xa: {  	[smem:$0x3FAC] =	sst s2  }
0xb: {  	[smem:$0x3FAD] =	sst s3  }
0xc: {  	[smem:$0x3FAE] =	sst s4  }
0xd: {  	[smem:$0x3FAF] =	sst s5  }
0xe: {  	[smem:$0x3FB0] =	sst s6  }
0xf: {  	[smem:$0x3FB1] =	sst s7  }
0x10: {  	[smem:$0x3FB2] =	sst s8  }
0x11: {  	[smem:$0x3FB3] =	sst s9;
	s0 =	simm.s32 @!p0 $0x0  }
0x12: {  	s1 =	sld [smem:$0x3F99];
	s0 =	simm.s32 @p0 $0x1  }
0x13: {  	[smem:$0x3FB4] =	sst s0;
	s0 =	simm.s32 @!p1 $0x0  }
0x14: {  	s2 =	sld [smem:$0x3F98];
	s0 =	simm.s32 @p1 $0x1  }
0x15: {  	[smem:$0x3FB5] =	sst s0;
	s0 =	simm.s32 @!p2 $0x0  }
0x16: {  	s3 =	sld [smem:$0x3FDB];
	s0 =	simm.s32 @p2 $0x1  }
0x17: {  	s4 =	simm.s32 $0x1BF5;
	[smem:$0x3FB7] =	sst s0  }
0x18: {  	s0 =	sld [smem:$0x3F9A];
	_ =	swait.ge [sflag:s4], $0x0  }
0x19: {  	s7 =	sld [smem:$0x3F9B]  }
0x1a: {  	s8 =	sadd.s32 $0xFFFFE003, lr  }
0x1b: {  	s9 =	sadd.s32 $0xFFFFFEF7, lr;
	s5 =	simm.s32 $0xFFFFFFFF;
	p2 =	slt.u32 s8, $0xFFFFF086  }
0x1c: {  	p1 =	slt.u32 s9, $0xF7A;
	s5 =	simm.s32 @!p2 $0x0  }
0x1d: {  	s5 =	simm.s32 @p1 $0x1;
	p0 =	seq.s32 s7, s2  }
0x1e: {  	s7 =	smul.u32 @!p0 $0xF7A, s2;
	p2 =	seq.s32 @!p0 s5, $0x0  }
0x1f: {  	s9 =	smul.u32 $0xF7A, s1;
	s8 =	simm.s32 @!p0 $0x1BF5;
	p2 =	por !p2, p0  }
0x20: {  	[sflag:s8] =	ssyncset.s32 @!p0 $0xFFFFF086;
	s6 =	sadd.s32 @!p0 s3, s7;
	s7 =	simm.s32 @!p0 $0x108  }
0x21: {  	s3 =	sadd.s32 s3, s9;
	s6 =	sadd.s32 @!p0 $0x88, s6;
	s7 =	simm.s32 @p2 $0x1082  }
0x22: {  	[simem:s7], [sflag:s8] =	dma.local @!p0 [hbm:s6], $0xF7A  }
0x23: {  	s9 =	sor.u32 $0xD0000000, s2;
	s6 =	simm.s32 $0x108;
	_ =	swait.ge @!p0 [sflag:s8], $0x0  }
0x24: {  	s3 =	sadd.s32 $0x88, s3;
	s6 =	simm.s32 @!p1 $0x1082;
	[sflag:s4] =	ssyncset.s32 $0xFFFFF086  }
0x25: {  	[simem:s6], [sflag:s4] =	dma.local [hbm:s3], $0xF7A  }
0x26: {  	[smem:$0x3F9B] =	sst s1;
	(tag) =	ssettag s2;
	_ =	strace s9  }
0x27: {  	s1 =	sld [smem:$0x3FAB]  }
0x28: {  	s2 =	sld [smem:$0x3FAC]  }
0x29: {  	s4 =	sld [smem:$0x3FAE]  }
0x2a: {  	p0 =	seq.s32 s5, $0x0;
	s5 =	sld [smem:$0x3FAF]  }
0x2b: {  	s6 =	sld [smem:$0x3FB0]  }
0x2c: {  	s7 =	sld [smem:$0x3FB1]  }
0x2d: {  	s3 =	simm.s32 $0x108;
	s8 =	sld [smem:$0x3FB2]  }
0x2e: {  	s3 =	simm.s32 @!p0 $0x1082;
	s9 =	sld [smem:$0x3FB3]  }
0x2f: {  	lr =	sadd.s32 s0, s3;
	s0 =	sld [smem:$0x3FAA]  }
0x30: {  	s3 =	sld [smem:$0x3FAD]  }
0x31: {  	[smem:$0x3FB6] =	sst s10  }
0x32: {  	s10 =	sld [smem:$0x3FB4];
	_ =	sdelay $0x3  }
0x33: {  	p0 =	seq.s32 s10, $0x1;
	s10 =	sld [smem:$0x3FB6];
	_ =	sdelay $0x3  }
0x34: {  	[smem:$0x3FB6] =	sst s10  }
0x35: {  	s10 =	sld [smem:$0x3FB5];
	_ =	sdelay $0x3  }
0x36: {  	p1 =	seq.s32 s10, $0x1;
	s10 =	sld [smem:$0x3FB6];
	_ =	sdelay $0x3  }
0x37: {  	[smem:$0x3FB6] =	sst s10  }
0x38: {  	s10 =	sld [smem:$0x3FB7]  }
0x39: {  	_ = 	snop;
	(pc) =	sbr.ind lr, $3  }
0x3a: {  	_ = 	snop  }
0x3b: {  	_ = 	snop  }
0x3c: {  	p2 =	seq.s32 s10, $0x1;
	s10 =	sld [smem:$0x3FB6]  }
0x3d: {  	_ =	shalt  }
0x3e: {  	_ =	shalt  }
0x3f: {  	_ =	shalt  }
0x40: {  	_ =	shalt  }
0x41: {  	_ =	shalt  }
0x42: {  	_ =	shalt  }
0x43: {  	_ =	shalt  }
0x44: {  	_ =	shalt  }
0x45: {  	_ =	shalt  }
0x46: {  	_ =	shalt  }
0x47: {  	_ =	shalt  }
0x48: {  	_ =	shalt  }
0x49: {  	_ =	shalt  }
0x4a: {  	_ =	shalt  }
0x4b: {  	_ =	shalt  }
0x4c: {  	_ =	shalt  }
0x4d: {  	_ =	shalt  }
0x4e: {  	_ =	shalt  }
0x4f: {  	_ =	shalt  }
0x50: {  	_ =	shalt  }
0x51: {  	_ =	shalt  }
0x52: {  	_ =	shalt  }
0x53: {  	_ =	shalt  }
0x54: {  	_ =	shalt  }
0x55: {  	_ =	shalt  }
0x56: {  	_ =	shalt  }
0x57: {  	_ =	shalt  }
0x58: {  	_ =	shalt  }
0x59: {  	_ =	shalt  }
0x5a: {  	_ =	shalt  }
0x5b: {  	_ =	shalt  }
0x5c: {  	_ =	shalt  }
0x5d: {  	_ =	shalt  }
0x5e: {  	_ =	shalt  }
0x5f: {  	_ =	shalt  }
0x60: {  	_ =	shalt  }
0x61: {  	_ =	shalt  }
0x62: {  	_ =	shalt  }
0x63: {  	_ =	shalt  }
0x64: {  	_ =	shalt  }
0x65: {  	_ =	shalt  }
0x66: {  	_ =	shalt  }
0x67: {  	_ =	shalt  }
0x68: {  	_ =	shalt  }
0x69: {  	_ =	shalt  }
0x6a: {  	_ =	shalt  }
0x6b: {  	_ =	shalt  }
0x6c: {  	_ =	shalt  }
0x6d: {  	_ =	shalt  }
0x6e: {  	_ =	shalt  }
0x6f: {  	_ =	shalt  }
0x70: {  	_ =	shalt  }
0x71: {  	_ =	shalt  }
0x72: {  	_ =	shalt  }
0x73: {  	_ =	shalt  }
0x74: {  	_ =	shalt  }
0x75: {  	_ =	shalt  }
0x76: {  	_ =	shalt  }
0x77: {  	_ =	shalt  }
0x78: {  	_ =	shalt  }
0x79: {  	_ =	shalt  }
0x7a: {  	_ =	shalt  }
0x7b: {  	_ =	shalt  }
0x7c: {  	_ =	shalt  }
0x7d: {  	_ =	shalt  }
0x7e: {  	_ =	shalt  }
0x7f: {  	_ =	shalt  }
0x80: {  	_ =	shalt  }
0x81: {  	_ =	shalt  }
0x82: {  	_ =	shalt  }
0x83: {  	_ =	shalt  }
0x84: {  	_ =	shalt  }
0x85: {  	_ =	shalt  }
0x86: {  	_ =	shalt  }
0x87: {  	_ =	shalt  }
.Lfunc_end0:
.L_simem_size_0:
called_computation_lowered:
.L_overlay_start_0:
0x88: {  	s2 =	sld [smem:$0x3FD9]  }
0x89: {  	s3 =	sld [smem:$0x3FFE];
	_ =	sdelay $0x1  }
0x8a: {  	s1 =	srdreg.scid  }
0x8b: {  	s0 =	sand.u32 $0x1, s1  }
0x8c: {  	s17 =	sshll.u32 s0, $0xA;
	s2 =	sadd.s32 s3, s2  }
0x8d: {  	s2 =	sadd.s32 s2, s17  }
0x8e: {  	[smem:$0x3FC2] =	sst s2  }
0x8f: {  	_ = 	snop  }
0x90: {  	s2 =	sld [smem:$0x3FC9];
	(tm) =	ssettm $0x1  }
0x91: {  	s18 =	sld [smem:$0x3FFB];
	_ =	sdelay $0x3  }
0x92: {  	_ =	strace s18  }
0x93: {  	s3 =	sld [smem:$0x3FFC];
	_ =	sdelay $0x3  }
0x94: {  	_ =	strace s3  }
0x95: {  	s3 =	sld [smem:$0x3FFD];
	_ =	sdelay $0x3  }
0x96: {  	_ =	strace s3  }
0x97: {  	_ =	strace $0x8FFFFFFF  }
0x98: {  	s19 =	sld [smem:$0x3FDB];
	_ =	sdelay $0x1  }
0x99: {  	s4 =	simm.s32 $_scs_section_size  }
0x9a: {  	s5 =	simm.s32 $_size__tile_overlayer_lowered;
	s6 =	simm.s32 $_tile_overlayer_lowered  }
0x9b: {  	s22 =	simm.s32 $0x1BFF;
	s21 =	sshll.u32 s6, $0x1;
	s3 =	sadd.s32 s4, s19  }
0x9c: {  	s7 =	simm.s32 $0x0;
	s20 =	sshll.u32 s5, $0x1;
	s5 =	sadd.s32 s21, s3  }
0x9d: {  	[timem:s7], [sflag:s22] =	dma.local [hbm:s5], s20  }
0x9e: {  	_ =	swait.ge [sflag:s22], s20  }
0x9f: {  	s4 =	ssub.s32 $0x0, s20;
	[sflag:s22] =	ssyncset.done $0x0  }
0xa0: {  	[sflag:s22] =	ssyncadd.s32 s4;
	_ =	sdelay $0x1  }
0xa1: {  	s23 =	simm.s32 $0x1B8B  }
0xa2: {  	_ =	swait.ge [sflag:s23], $0x1  }
0xa3: {  	[sflag:s23] =	ssyncset.done $0x0  }
0xa4: {  	s25 =	simm.s32 $0x1B8E;
	s24 =	sld [smem:$0x3FFE];
	[sflag:s23] =	ssyncadd.s32 $0xFFFFFFFF  }
0xa5: {  	s26 =	simm.s32 $execute0_lowered;
	[smem:$0x3FD2] =	sst s25  }
0xa6: {  	s5 =	sshll.u32 s26, $0x1;
	_ =	strace $0x80000046;
	[dreg:$0x1] =	wrdreg $0xFFFFFFFF  }
0xa7: {  	s28 =	simm.s32 $_size_execute0_lowered;
	s3 =	sadd.s32 s3, s5;
	[dreg:$0x0] =	wrdreg $0x0  }
0xa8: {  	s5 =	sshll.u32 s28, $0x1;
	[dreg:$0x2] =	wrdreg s3  }
0xa9: {  	[dreg:$0x3] =	wrdreg s5  }
0xaa: {  	[dreg:$0x4] =	wrdreg $0xC0  }
0xab: {  	_ =	task [dreg:s7], $0x5FFFF  }
0xac: {  	[dreg:$0x1] =	wrdreg $0xFFFFFFFF  }
0xad: {  	[dreg:$0x0] =	wrdreg $0x60  }
0xae: {  	[dreg:$0x2] =	wrdreg s2  }
0xaf: {  	[dreg:$0x3] =	wrdreg s24  }
0xb0: {  	[dreg:$0x4] =	wrdreg $0x87800  }
0xb1: {  	[dreg:$0x5] =	wrdreg $0x9  }
0xb2: {  	_ =	task.clear_ibuf [dreg:s7], $0x6FFFF;
	_ =	strace $0x90000046  }
0xb3: {  	s29 =	simm.s32 $0x9;
	_ =	strace $0x80000048  }
0xb4: {  	_ =	swait.ge [sflag:s29], $0x1  }
0xb5: {  	[sflag:s29] =	ssyncadd.s32 $0xFFFFFFFF  }
0xb6: {  	_ =	strace $0x90000048  }
0xb7: {  	_ =	sfence  }
0xb8: {  	s30 =	sld [smem:$0x0];
	_ =	sdelay $0x2  }
0xb9: {  	s31 =	sshll.u32 s1, $0xD;
	s1 =	sshrl.u32 s1, $0x2  }
0xba: {  	s3 =	sand.u32 $0x4000, s31;
	s1 =	sadd.s32 s1, s30  }
0xbb: {  	s0 =	sor.u32 s3, s0;
	s1 =	sshll.u32 s1, $0x11  }
0xbc: {  	s0 =	sor.u32 s1, s0  }
0xbd: {  	s0 =	sadd.s32 $0x8F2B, s0  }
0xbe: {  	[sflag:s0] =	ssyncadd.remote.s32 $0x1  }
0xbf: {  	_ =	sfence.sel $0xFFFF  }
0xc0: {  	[dreg:$0x0] =	wrdreg $0xFFFFFFFF;
	(pc) =	sbr.abs _section_cstart, $3  }
0xc1: {  	[dreg:$0x1] =	wrdreg $0xFFFFFFFF  }
0xc2: {  	_ =	task.clear_ibuf [dreg:s7], $0x2FFFF;
	_ =	strace $0x9FFFFFFF  }
0xc3: {  	(tm) =	ssettm $0x7FFFFFFF  }
tec
execute0_lowered:
.L_overlay_start_1:
0x0: {  	(tag) =	ssettag $0x1  }
0x1: {  	s0 =	rddreg [dreg:$0x0]  }
0x2: {  	s3 =	rddreg [dreg:$0x1]  }
0x3: {  	s1 =	srdreg.scid;
	s2 =	rddreg [dreg:$0x2]  }
0x4: {  	s11 =	stileid.u32;
	s4 =	simm.s32 $0x0;
	s29 =	simm.s32 $0x3  }
0x5: {  	s30 =	simm.s32 $0x800;
	s31 =	simm.s32 $0xC00;
	s28 =	simm.s32 $0x0  }
0x6: {  	s1 =	sand.u32 $0x1, s1;
	[smem:$0x7FF] =	sst s4;
	s7 =	smul.u32 $0x4E000, s11  }
0x7: {  	s8 =	sadd.s32 $0x2AC00, s3;
	s15 =	smul.u32 $0xF, s11;
	s19 =	smin.u32 s11, $0xA  }
0x8: {  	s24 =	sadd.s32 $0x138000, s2;
	p0 =	slt.u32 s11, $0xA;
	s21 =	smul.u32 $0x13800, s11  }
0x9: {  	s5 =	sshll.u32 s1, $0x4;
	_ =	strace $0x80000047;
	s26 =	smul.u32 $0xFA, s1  }
0xa: {  	s9 =	ssub.s32 $0x2, s1;
	s1 =	smul.u32 $0x138800, s1;
	[dreg:$0xc] =	wrdreg s24  }
0xb: {  	s5 =	sor.u32 s11, s5;
	s10 =	sshrl.u32 s9, $0x1;
	s7 =	sshrl.u32 s7, $0x2  }
0xc: {  	s6 =	smul.u32 $0x4F0, s5;
	s5 =	sadd.s32 $0x1A00, s3;
	s9 =	ssub.s32 s9, s10  }
0xd: {  	s23 =	sadd.s32 s7, s2;
	s7 =	sadd.s32 s15, s26;
	s25 =	sadd.s32 s21, s1  }
0xe: {  	s1 =	sshrl.u32 s1, $0x3;
	s13 =	sadd.s32 $0x2800, s23;
	[dreg:$0x4] =	wrdreg s23  }
0xf: {  	s10 =	simm.s32 $0x2;
	s14 =	sadd.s32 $0x5000, s23;
	[dreg:$0x5] =	wrdreg s13  }
0x10: {  	s12 =	sadd.s32 $0x7800, s23;
	s16 =	sadd.s32 $0xA000, s23;
	[dreg:$0x6] =	wrdreg s14  }
0x11: {  	s17 =	sadd.s32 $0xC800, s23;
	s18 =	sadd.s32 $0xF000, s23;
	[dreg:$0x7] =	wrdreg s12  }
0x12: {  	s20 =	sadd.s32 $0x11800, s23;
	s15 =	sadd.s32 s19, s7;
	[dreg:$0x8] =	wrdreg s16  }
0x13: {  	s19 =	sadd.s32 $0x11400, s3;
	s1 =	sadd.s32 s8, s1;
	[dreg:$0x9] =	wrdreg s17  }
0x14: {  	s26 =	smax.u32 s9, $0x1;
	s9 =	simm.s32 $0x6000;
	[dreg:$0xa] =	wrdreg s18  }
0x15: {  	s6 =	sadd.s32 s6, s3;
	[dreg:$0xb] =	wrdreg s20;
	s16 =	simm.s32 $0x10  }
0x16: {  	s7 =	sshll.u32 s15, $0x7;
	s1 =	sadd.s32 $0x27000, s1;
	[dreg:$0x12] =	wrdreg s26  }
0x17: {  	s26 =	simm.s32 $0x5;
	s12 =	simm.s32 $0x4;
	s14 =	simm.s32 $0xA80  }
0x18: {  	s13 =	simm.s32 $0xB80;
	s18 =	simm.s32 $0xF00;
	s20 =	simm.s32 $0xF80  }
0x19: {  	s16 =	simm.s32 @!p0 $0xF;
	s22 =	sadd.s32 s5, s7;
	s3 =	sadd.s32 s7, s19  }
0x1a: {  	s6 =	sadd.s32 $0x20E00, s6;
	[dreg:$0x11] =	wrdreg s1;
	p0 =	sne.s32 s11, $0x0  }
.Ltmp0:
0x1b: {  	s1 =	simm.s32 $0x50;
	[dreg:$0xd] =	wrdreg s22;
	(pc) =	sbr.rel .LBB2_1-.Ltmp0, $4  }
0x1c: {  	s7 =	simm.s32 $0xB00;
	s11 =	simm.s32 $0xE80;
	[dreg:$0xe] =	wrdreg s3  }
0x1d: {  	s17 =	sadd.s32 s15, s16;
	[dreg:$0xf] =	wrdreg s6;
	s3 =	sshrl.u32 s25, $0x3  }
0x1e: {  	s25 =	simm.s32 $0x1000;
	s6 =	simm.s32 $0xE00;
	s3 =	sadd.s32 s8, s3  }
0x1f: {  	v0 =	vimm.f32 $0.0e+00;
	v1 =	vimm.f32 $1.000000000e+00;
	s8 =	simm.s32 $0x3800;
	[dreg:$0x10] =	wrdreg s3;
	s3 =	simm.s32 $0x1  }
.LBB2_11:
0x20: {  	s21 =	rddreg [dreg:$0xf]  }
0x21: {  	[hbm4b:s21+s4] =	stream.linear.scatter [tilespmem:s9], [sflag:$0x5], $0x2780, $0x38;
	[tilespmem:$0x1C000] =	vst v63  }
0x22: {  	_ =	swait.ge [sflag:s26], $0x2780  }
0x23: {  	[sflag:s26] =	ssyncset.done $0x0  }
0x24: {  	[sflag:s26] =	ssyncadd.s32 $0xFFFFD880  }
0x25: {  	s24 =	stileid.u32;
	[bflag:$0x0] =	sbarrier.arrive $0xFFFF  }
0x26: {  	s21 =	sshll.u32 s24, $0x6;
	s23 =	rddreg [dreg:$0x4]  }
0x27: {  	s21 =	sor.u32 $0x1C05, s21;
	s24 =	rddreg [dreg:$0x10];
	s22 =	sshrl.u32 s23, $0x3  }
0x28: {  	[hbm:s24], [sflag:s21] =	dma.local [spmem:s22], $0x2700  }
0x29: {  	_ =	swait.ge [sflag:s26], $0x2700  }
0x2a: {  	[sflag:s26] =	ssyncset.done $0x0;
	s24 =	rddreg [dreg:$0xc]  }
0x2b: {  	s28 =	rddreg [dreg:$0x11];
	[sflag:s26] =	ssyncadd.s32 $0xFFFFD900;
	s22 =	sshrl.u32 @!p0 s24, $0x3  }
0x2c: {  	[hbm:s28], [sflag:s21] =	dma.local @!p0 [spmem:s22], $0x100  }
0x2d: {  	s21 =	simm.s32 @!p0 $0x5  }
0x2e: {  	_ =	swait.ge @!p0 [sflag:s21], $0x100  }
0x2f: {  	s28 =	rddreg [dreg:$0x13]  }
0x30: {  	s22 =	rddreg [dreg:$0x12];
	s28 =	sadd.s32 $0x1, s28  }
0x31: {  	p1 =	sne.s32 s28, s22  }
.Ltmp1:
0x32: {  	_ = 	snop;
	(pc) =	sbr.rel @!p1 .LBB2_12-.Ltmp1, $3  }
0x33: {  	_ =	sdelay $0x1  }
0x34: {  	[sflag:s21] =	ssyncset.done @!p0 $0x0  }
0x35: {  	[sflag:s21] =	ssyncadd.s32 @!p0 $0xFFFFFF00  }
.LBB2_1:
0x36: {  	s21 =	simm.s32 $0x0;
	s22 =	simm.s32 $0x200  }
.LBB2_2:
0x37: {  	p1 =	sne.s32 s22, $0x9E00;
	[tilespmem:s21+$0x1070] =	vst v0  }
0x38: {  	[tilespmem:s21+$0x1000] =	vst v0  }
0x39: {  	[tilespmem:s21+$0x1010] =	vst v0  }
.Ltmp2:
0x3a: {  	[tilespmem:s21+$0x1020] =	vst v0;
	(pc) =	sbr.rel @p1 .LBB2_2-.Ltmp2, $4  }
0x3b: {  	[tilespmem:s21+$0x1030] =	vst v0  }
0x3c: {  	[tilespmem:s21+$0x1040] =	vst v0  }
0x3d: {  	[tilespmem:s21+$0x1050] =	vst v0  }
0x3e: {  	[tilespmem:s21+$0x1060] =	vst v0;
	s21 =	sshra.s32 s22, $0x2;
	s22 =	sadd.s32 $0x200, s22  }
0x3f: {  	[tilespmem:s21+$0x1070] =	vst v0  }
0x40: {  	[tilespmem:s21+$0x1000] =	vst v0  }
0x41: {  	[tilespmem:s21+$0x1010] =	vst v0  }
0x42: {  	[tilespmem:s21+$0x1020] =	vst v0  }
0x43: {  	[tilespmem:s21+$0x1030] =	vst v0  }
0x44: {  	[tilespmem:s21+$0x1040] =	vst v0  }
0x45: {  	[tilespmem:s21+$0x1050] =	vst v0  }
0x46: {  	[tilespmem:s21+$0x1060] =	vst v0;
	s21 =	simm.s32 $0x40;
	s22 =	simm.s32 $0x0  }
.LBB2_4:
0x47: {  	p1 =	sne.s32 s21, $0x9C00;
	[tilespmem:s22+$0x6000] =	vst v0;
	s22 =	smov.u32 s21;
	s21 =	sadd.s32 $0x40, s21  }
.Ltmp3:
0x48: {  	(pc) =	sbr.rel @p1 .LBB2_4-.Ltmp3, $2  }
0x49: {  	_ =	sdelay $0x2  }
0x4a: {  	s22 =	sshra.s32 s22, $0x2  }
0x4b: {  	[dreg:$0x13] =	wrdreg s28;
	[tilespmem:s22+$0x6000] =	vst v0  }
0x4c: {  	[spmem:s23] =	stream.linear.scatter [tilespmem:s25], [sflag:$0x5], $0x2800, $0x38;
	[tilespmem:$0x1C000] =	vst v63  }
0x4d: {  	_ =	swait.ge [sflag:s26], $0x2800  }
0x4e: {  	[sflag:s26] =	ssyncset.done $0x0  }
0x4f: {  	s21 =	rddreg [dreg:$0x5];
	[sflag:s26] =	ssyncadd.s32 $0xFFFFD800  }
0x50: {  	[spmem:s21] =	stream.linear.scatter [tilespmem:s25], [sflag:$0x5], $0x2800, $0x38;
	[tilespmem:$0x1C000] =	vst v63  }
0x51: {  	_ =	swait.ge [sflag:s26], $0x2800  }
0x52: {  	[sflag:s26] =	ssyncset.done $0x0  }
0x53: {  	s23 =	rddreg [dreg:$0x6];
	[sflag:s26] =	ssyncadd.s32 $0xFFFFD800  }
0x54: {  	[spmem:s23] =	stream.linear.scatter [tilespmem:s25], [sflag:$0x5], $0x2800, $0x38;
	[tilespmem:$0x1C000] =	vst v63  }
0x55: {  	_ =	swait.ge [sflag:s26], $0x2800  }
0x56: {  	[sflag:s26] =	ssyncset.done $0x0  }
0x57: {  	s28 =	rddreg [dreg:$0x7];
	[sflag:s26] =	ssyncadd.s32 $0xFFFFD800  }
0x58: {  	[spmem:s28] =	stream.linear.scatter [tilespmem:s25], [sflag:$0x5], $0x2800, $0x38;
	[tilespmem:$0x1C000] =	vst v63  }
0x59: {  	_ =	swait.ge [sflag:s26], $0x2800  }
0x5a: {  	[sflag:s26] =	ssyncset.done $0x0  }
0x5b: {  	s22 =	rddreg [dreg:$0x8];
	[sflag:s26] =	ssyncadd.s32 $0xFFFFD800  }
0x5c: {  	[spmem:s22] =	stream.linear.scatter [tilespmem:s25], [sflag:$0x5], $0x2800, $0x38;
	[tilespmem:$0x1C000] =	vst v63  }
0x5d: {  	_ =	swait.ge [sflag:s26], $0x2800  }
0x5e: {  	[sflag:s26] =	ssyncset.done $0x0  }
0x5f: {  	s23 =	rddreg [dreg:$0x9];
	[sflag:s26] =	ssyncadd.s32 $0xFFFFD800  }
0x60: {  	[spmem:s23] =	stream.linear.scatter [tilespmem:s25], [sflag:$0x5], $0x2800, $0x38;
	[tilespmem:$0x1C000] =	vst v63  }
0x61: {  	_ =	swait.ge [sflag:s26], $0x2800  }
0x62: {  	[sflag:s26] =	ssyncset.done $0x0  }
0x63: {  	s28 =	rddreg [dreg:$0xa];
	[sflag:s26] =	ssyncadd.s32 $0xFFFFD800  }
0x64: {  	[spmem:s28] =	stream.linear.scatter [tilespmem:s25], [sflag:$0x5], $0x2800, $0x38;
	[tilespmem:$0x1C000] =	vst v63  }
0x65: {  	_ =	swait.ge [sflag:s26], $0x2800  }
0x66: {  	[sflag:s26] =	ssyncset.done $0x0  }
0x67: {  	s22 =	rddreg [dreg:$0xb];
	[sflag:s26] =	ssyncadd.s32 $0xFFFFD800  }
0x68: {  	[spmem:s22] =	stream.linear.scatter [tilespmem:s25], [sflag:$0x5], $0x2000, $0x38;
	[tilespmem:$0x1C000] =	vst v63  }
0x69: {  	_ =	swait.ge [sflag:s26], $0x2000  }
0x6a: {  	[sflag:s26] =	ssyncset.done $0x0  }
0x6b: {  	s21 =	simm.s32 @!p0 $0x1000;
	[sflag:s26] =	ssyncadd.s32 $0xFFFFE000  }
0x6c: {  	[spmem:s24] =	stream.linear.scatter @!p0 [tilespmem:s21], [sflag:$0x5], $0x800, $0x38;
	[tilespmem:$0x1C000] =	vst v63  }
0x6d: {  	s21 =	simm.s32 @!p0 $0x5  }
0x6e: {  	_ =	swait.ge @!p0 [sflag:s21], $0x800  }
0x6f: {  	[sflag:s21] =	ssyncset.done @!p0 $0x0  }
0x70: {  	s23 =	rddreg [dreg:$0xd];
	[sflag:s21] =	ssyncadd.s32 @!p0 $0xFFFFF800;
	s21 =	simm.s32 $0x0  }
0x71: {  	[tilespmem:s21], [sflag:$0x3] =	stream.linear.gather [hbm4b:s23+s21], $0x400, $0x38;
	[tilespmem:$0x1C000] =	vst v63  }
.Ltmp4:
0x72: {  	_ = 	snop;
	(pc) =	sbr.rel .LBB2_6-.Ltmp4, $3  }
0x73: {  	s28 =	simm.s32 $0x400;
	s24 =	rddreg [dreg:$0xe]  }
0x74: {  	[tilespmem:s28], [sflag:$0x3] =	stream.linear.gather [hbm4b:s24+s21], $0x400, $0x38;
	[tilespmem:$0x1C000] =	vst v63  }
0x75: {  	[bflag:$0x0] =	sbarrier.arrive $0xFFFF;
	_ =	sdelay $0x1  }
.LBB2_10:
0x76: {  	s21 =	sadd.s32 $0x2, s21  }
0x77: {  	p1 =	sne.s32 s21, $0x10  }
.Ltmp5:
0x78: {  	_ = 	snop;
	(pc) =	sbr.rel @!p1 .LBB2_11-.Ltmp5, $1  }
0x79: {  	_ =	sdelay $0x3  }
.LBB2_6:
0x7a: {  	s23 =	sadd.s32 s21, s15;
	_ =	swait.ge [sflag:s29], $0x400  }
0x7b: {  	[sflag:s29] =	ssyncset.done $0x0;
	s24 =	sadd.s32 $0x1, s23  }
0x7c: {  	[sflag:s29] =	ssyncadd.s32 $0xFFFFFC00;
	p1 =	slt.s32 s24, $0x1F3;
	s22 =	smov.u32 s24  }
0x7d: {  	_ =	swait.ge [sflag:s29], $0x400;
	s22 =	simm.s32 @!p1 $0x1F3;
	p1 =	sge.u32 s21, s16  }
.Ltmp6:
0x7e: {  	[sflag:s29] =	ssyncset.done $0x0;
	s22 =	sshll.u32 s22, $0x7;
	(pc) =	sbr.rel @p1 .LBB2_8-.Ltmp6, $4  }
0x7f: {  	[sflag:s29] =	ssyncadd.s32 $0xFFFFFC00;
	s28 =	sadd.s32 s5, s22  }
0x80: {  	[tilespmem:s30], [sflag:$0x4] =	stream.linear.gather [hbm4b:s28+s4], $0x400, $0x38;
	[tilespmem:$0x1C000] =	vst v63  }
0x81: {  	s22 =	sadd.s32 s22, s19  }
0x82: {  	[tilespmem:s31], [sflag:$0x4] =	stream.linear.gather [hbm4b:s22+s4], $0x400, $0x38;
	[tilespmem:$0x1C000] =	vst v63  }
0x83: {  	[tilespmem:s25], [sflag:$0x1] =	stream.indirect.gather [hbm4b:s0+s1], $0x80, s4, s1, $0xb8;
	[tilespmem:$0x1C000] =	vst v63  }
0x84: {  	_ =	swait.ge [sflag:s3], $0x2800  }
0x85: {  	[sflag:s3] =	ssyncset.done $0x0  }
0x86: {  	s22 =	simm.s32 $0x80;
	[sflag:s3] =	ssyncadd.s32 $0xFFFFD800  }
0x87: {  	[tilespmem:s8], [sflag:$0x2] =	stream.indirect.gather [hbm4b:s0+s1], $0x80, s22, s1, $0xb8;
	[tilespmem:$0x1C000] =	vst v63  }
0x88: {  	s28 =	simm.s32 $0x400  }
0x89: {  	[spmem:s2] =	stream.indirect.scatter.add.f32 [tilespmem:s25], [sflag:$0x5], $0x80, s28, s1, $0xb8;
	[tilespmem:$0x1C000] =	vst v63  }
0x8a: {  	_ =	swait.ge [sflag:s26], $0x2800  }
0x8b: {  	[sflag:s26] =	ssyncset.done $0x0  }
0x8c: {  	[sflag:s26] =	ssyncadd.s32 $0xFFFFD800  }
0x8d: {  	v2 =	vld [tilespmem:$0x400];
	_ =	sdelay $0x7  }
0x8e: {  	[tilespmem:v2+s9+$0x0] =	vst.idx.add.f32.msk $0xffff, v1  }
0x8f: {  	v2 =	vld [tilespmem:$0x410];
	_ =	sdelay $0x7  }
0x90: {  	[tilespmem:v2+s9+$0x0] =	vst.idx.add.f32.msk $0xffff, v1  }
0x91: {  	v2 =	vld [tilespmem:$0x420];
	_ =	sdelay $0x7  }
0x92: {  	[tilespmem:v2+s9+$0x0] =	vst.idx.add.f32.msk $0xffff, v1  }
0x93: {  	v2 =	vld [tilespmem:$0x430];
	_ =	sdelay $0x7  }
0x94: {  	[tilespmem:v2+s9+$0x0] =	vst.idx.add.f32.msk $0xffff, v1  }
0x95: {  	v2 =	vld [tilespmem:$0x440];
	_ =	sdelay $0x7  }
0x96: {  	[tilespmem:v2+s9+$0x0] =	vst.idx.add.f32.msk $0xffff, v1  }
0x97: {  	_ =	swait.ge [sflag:s10], $0x2800  }
0x98: {  	[sflag:s10] =	ssyncset.done $0x0  }
0x99: {  	s28 =	simm.s32 $0x100;
	[sflag:s10] =	ssyncadd.s32 $0xFFFFD800  }
0x9a: {  	[tilespmem:s25], [sflag:$0x1] =	stream.indirect.gather [hbm4b:s0+s1], $0x80, s28, s1, $0xb8;
	[tilespmem:$0x1C000] =	vst v63  }
0x9b: {  	s28 =	simm.s32 $0x480  }
0x9c: {  	[spmem:s2] =	stream.indirect.scatter.add.f32 [tilespmem:s8], [sflag:$0x5], $0x80, s28, s1, $0xb8;
	[tilespmem:$0x1C000] =	vst v63  }
0x9d: {  	_ =	swait.ge [sflag:s26], $0x2800  }
0x9e: {  	[sflag:s26] =	ssyncset.done $0x0  }
0x9f: {  	[sflag:s26] =	ssyncadd.s32 $0xFFFFD800  }
0xa0: {  	v2 =	vld [tilespmem:$0x480];
	_ =	sdelay $0x7  }
0xa1: {  	[tilespmem:v2+s9+$0x0] =	vst.idx.add.f32.msk $0xffff, v1  }
0xa2: {  	v2 =	vld [tilespmem:$0x490];
	_ =	sdelay $0x7  }
0xa3: {  	[tilespmem:v2+s9+$0x0] =	vst.idx.add.f32.msk $0xffff, v1  }
0xa4: {  	v2 =	vld [tilespmem:$0x4A0];
	_ =	sdelay $0x7  }
0xa5: {  	[tilespmem:v2+s9+$0x0] =	vst.idx.add.f32.msk $0xffff, v1  }
0xa6: {  	v2 =	vld [tilespmem:$0x4B0];
	_ =	sdelay $0x7  }
0xa7: {  	[tilespmem:v2+s9+$0x0] =	vst.idx.add.f32.msk $0xffff, v1  }
0xa8: {  	v2 =	vld [tilespmem:$0x4C0];
	_ =	sdelay $0x7  }
0xa9: {  	[tilespmem:v2+s9+$0x0] =	vst.idx.add.f32.msk $0xffff, v1  }
0xaa: {  	_ =	swait.ge [sflag:s3], $0x2800  }
0xab: {  	[sflag:s3] =	ssyncset.done $0x0  }
0xac: {  	s28 =	simm.s32 $0x180;
	[sflag:s3] =	ssyncadd.s32 $0xFFFFD800  }
0xad: {  	[tilespmem:s8], [sflag:$0x2] =	stream.indirect.gather [hbm4b:s0+s1], $0x80, s28, s1, $0xb8;
	[tilespmem:$0x1C000] =	vst v63  }
0xae: {  	s28 =	simm.s32 $0x500  }
0xaf: {  	[spmem:s2] =	stream.indirect.scatter.add.f32 [tilespmem:s25], [sflag:$0x5], $0x80, s28, s1, $0xb8;
	[tilespmem:$0x1C000] =	vst v63  }
0xb0: {  	_ =	swait.ge [sflag:s26], $0x2800  }
0xb1: {  	[sflag:s26] =	ssyncset.done $0x0  }
0xb2: {  	[sflag:s26] =	ssyncadd.s32 $0xFFFFD800  }
0xb3: {  	v2 =	vld [tilespmem:$0x500];
	_ =	sdelay $0x7  }
0xb4: {  	[tilespmem:v2+s9+$0x0] =	vst.idx.add.f32.msk $0xffff, v1  }
0xb5: {  	v2 =	vld [tilespmem:$0x510];
	_ =	sdelay $0x7  }
0xb6: {  	[tilespmem:v2+s9+$0x0] =	vst.idx.add.f32.msk $0xffff, v1  }
0xb7: {  	v2 =	vld [tilespmem:$0x520];
	_ =	sdelay $0x7  }
0xb8: {  	[tilespmem:v2+s9+$0x0] =	vst.idx.add.f32.msk $0xffff, v1  }
0xb9: {  	v2 =	vld [tilespmem:$0x530];
	_ =	sdelay $0x7  }
0xba: {  	[tilespmem:v2+s9+$0x0] =	vst.idx.add.f32.msk $0xffff, v1  }
0xbb: {  	v2 =	vld [tilespmem:$0x540];
	_ =	sdelay $0x7  }
0xbc: {  	[tilespmem:v2+s9+$0x0] =	vst.idx.add.f32.msk $0xffff, v1  }
0xbd: {  	_ =	swait.ge [sflag:s10], $0x2800  }
0xbe: {  	[sflag:s10] =	ssyncset.done $0x0  }
0xbf: {  	s28 =	simm.s32 $0x200;
	[sflag:s10] =	ssyncadd.s32 $0xFFFFD800  }
0xc0: {  	[tilespmem:s25], [sflag:$0x1] =	stream.indirect.gather [hbm4b:s0+s1], $0x80, s28, s1, $0xb8;
	[tilespmem:$0x1C000] =	vst v63  }
0xc1: {  	s28 =	simm.s32 $0x580  }
0xc2: {  	[spmem:s2] =	stream.indirect.scatter.add.f32 [tilespmem:s8], [sflag:$0x5], $0x80, s28, s1, $0xb8;
	[tilespmem:$0x1C000] =	vst v63  }
0xc3: {  	_ =	swait.ge [sflag:s26], $0x2800  }
0xc4: {  	[sflag:s26] =	ssyncset.done $0x0  }
0xc5: {  	[sflag:s26] =	ssyncadd.s32 $0xFFFFD800  }
0xc6: {  	v2 =	vld [tilespmem:$0x580];
	_ =	sdelay $0x7  }
0xc7: {  	[tilespmem:v2+s9+$0x0] =	vst.idx.add.f32.msk $0xffff, v1  }
0xc8: {  	v2 =	vld [tilespmem:$0x590];
	_ =	sdelay $0x7  }
0xc9: {  	[tilespmem:v2+s9+$0x0] =	vst.idx.add.f32.msk $0xffff, v1  }
0xca: {  	v2 =	vld [tilespmem:$0x5A0];
	_ =	sdelay $0x7  }
0xcb: {  	[tilespmem:v2+s9+$0x0] =	vst.idx.add.f32.msk $0xffff, v1  }
0xcc: {  	v2 =	vld [tilespmem:$0x5B0];
	_ =	sdelay $0x7  }
0xcd: {  	[tilespmem:v2+s9+$0x0] =	vst.idx.add.f32.msk $0xffff, v1  }
0xce: {  	v2 =	vld [tilespmem:$0x5C0];
	_ =	sdelay $0x7  }
0xcf: {  	[tilespmem:v2+s9+$0x0] =	vst.idx.add.f32.msk $0xffff, v1  }
0xd0: {  	_ =	swait.ge [sflag:s3], $0x2800  }
0xd1: {  	[sflag:s3] =	ssyncset.done $0x0  }
0xd2: {  	s28 =	simm.s32 $0x280;
	[sflag:s3] =	ssyncadd.s32 $0xFFFFD800  }
0xd3: {  	[tilespmem:s8], [sflag:$0x2] =	stream.indirect.gather [hbm4b:s0+s1], $0x80, s28, s1, $0xb8;
	[tilespmem:$0x1C000] =	vst v63  }
0xd4: {  	s28 =	simm.s32 $0x600  }
0xd5: {  	[spmem:s2] =	stream.indirect.scatter.add.f32 [tilespmem:s25], [sflag:$0x5], $0x80, s28, s1, $0xb8;
	[tilespmem:$0x1C000] =	vst v63  }
0xd6: {  	_ =	swait.ge [sflag:s26], $0x2800  }
0xd7: {  	[sflag:s26] =	ssyncset.done $0x0  }
0xd8: {  	[sflag:s26] =	ssyncadd.s32 $0xFFFFD800  }
0xd9: {  	v2 =	vld [tilespmem:$0x600];
	_ =	sdelay $0x7  }
0xda: {  	[tilespmem:v2+s9+$0x0] =	vst.idx.add.f32.msk $0xffff, v1  }
0xdb: {  	v2 =	vld [tilespmem:$0x610];
	_ =	sdelay $0x7  }
0xdc: {  	[tilespmem:v2+s9+$0x0] =	vst.idx.add.f32.msk $0xffff, v1  }
0xdd: {  	v2 =	vld [tilespmem:$0x620];
	_ =	sdelay $0x7  }
0xde: {  	[tilespmem:v2+s9+$0x0] =	vst.idx.add.f32.msk $0xffff, v1  }
0xdf: {  	v2 =	vld [tilespmem:$0x630];
	_ =	sdelay $0x7  }
0xe0: {  	[tilespmem:v2+s9+$0x0] =	vst.idx.add.f32.msk $0xffff, v1  }
0xe1: {  	v2 =	vld [tilespmem:$0x640];
	_ =	sdelay $0x7  }
0xe2: {  	[tilespmem:v2+s9+$0x0] =	vst.idx.add.f32.msk $0xffff, v1  }
0xe3: {  	_ =	swait.ge [sflag:s10], $0x2800  }
0xe4: {  	[sflag:s10] =	ssyncset.done $0x0  }
0xe5: {  	s28 =	simm.s32 $0x300;
	[sflag:s10] =	ssyncadd.s32 $0xFFFFD800  }
0xe6: {  	[tilespmem:s25], [sflag:$0x1] =	stream.indirect.gather [hbm4b:s0+s1], $0x80, s28, s1, $0xb8;
	[tilespmem:$0x1C000] =	vst v63  }
0xe7: {  	s28 =	simm.s32 $0x680  }
0xe8: {  	[spmem:s2] =	stream.indirect.scatter.add.f32 [tilespmem:s8], [sflag:$0x5], $0x80, s28, s1, $0xb8;
	[tilespmem:$0x1C000] =	vst v63  }
0xe9: {  	_ =	swait.ge [sflag:s26], $0x2800  }
0xea: {  	[sflag:s26] =	ssyncset.done $0x0  }
0xeb: {  	[sflag:s26] =	ssyncadd.s32 $0xFFFFD800  }
0xec: {  	v2 =	vld [tilespmem:$0x680];
	_ =	sdelay $0x7  }
0xed: {  	[tilespmem:v2+s9+$0x0] =	vst.idx.add.f32.msk $0xffff, v1  }
0xee: {  	v2 =	vld [tilespmem:$0x690];
	_ =	sdelay $0x7  }
0xef: {  	[tilespmem:v2+s9+$0x0] =	vst.idx.add.f32.msk $0xffff, v1  }
0xf0: {  	v2 =	vld [tilespmem:$0x6A0];
	_ =	sdelay $0x7  }
0xf1: {  	[tilespmem:v2+s9+$0x0] =	vst.idx.add.f32.msk $0xffff, v1  }
0xf2: {  	v2 =	vld [tilespmem:$0x6B0];
	_ =	sdelay $0x7  }
0xf3: {  	[tilespmem:v2+s9+$0x0] =	vst.idx.add.f32.msk $0xffff, v1  }
0xf4: {  	v2 =	vld [tilespmem:$0x6C0];
	_ =	sdelay $0x7  }
0xf5: {  	[tilespmem:v2+s9+$0x0] =	vst.idx.add.f32.msk $0xffff, v1  }
0xf6: {  	_ =	swait.ge [sflag:s3], $0x2800  }
0xf7: {  	[sflag:s3] =	ssyncset.done $0x0  }
0xf8: {  	s28 =	simm.s32 $0x380;
	[sflag:s3] =	ssyncadd.s32 $0xFFFFD800  }
0xf9: {  	[tilespmem:s8], [sflag:$0x2] =	stream.indirect.gather [hbm4b:s0+s1], $0x80, s28, s1, $0xb8;
	[tilespmem:$0x1C000] =	vst v63  }
0xfa: {  	s28 =	simm.s32 $0x700  }
0xfb: {  	[spmem:s2] =	stream.indirect.scatter.add.f32 [tilespmem:s25], [sflag:$0x5], $0x80, s28, s1, $0xb8;
	[tilespmem:$0x1C000] =	vst v63  }
0xfc: {  	_ =	swait.ge [sflag:s26], $0x2800  }
0xfd: {  	[sflag:s26] =	ssyncset.done $0x0  }
0xfe: {  	[sflag:s26] =	ssyncadd.s32 $0xFFFFD800  }
0xff: {  	v2 =	vld [tilespmem:$0x700];
	_ =	sdelay $0x7  }
0x100: {  	[tilespmem:v2+s9+$0x0] =	vst.idx.add.f32.msk $0xffff, v1  }
0x101: {  	v2 =	vld [tilespmem:$0x710];
	_ =	sdelay $0x7  }
0x102: {  	[tilespmem:v2+s9+$0x0] =	vst.idx.add.f32.msk $0xffff, v1  }
0x103: {  	v2 =	vld [tilespmem:$0x720];
	_ =	sdelay $0x7  }
0x104: {  	[tilespmem:v2+s9+$0x0] =	vst.idx.add.f32.msk $0xffff, v1  }
0x105: {  	v2 =	vld [tilespmem:$0x730];
	_ =	sdelay $0x7  }
0x106: {  	[tilespmem:v2+s9+$0x0] =	vst.idx.add.f32.msk $0xffff, v1  }
0x107: {  	v2 =	vld [tilespmem:$0x740];
	_ =	sdelay $0x7  }
0x108: {  	[tilespmem:v2+s9+$0x0] =	vst.idx.add.f32.msk $0xffff, v1  }
0x109: {  	_ =	swait.ge [sflag:s10], $0x2800  }
0x10a: {  	[sflag:s10] =	ssyncset.done $0x0  }
0x10b: {  	s28 =	simm.s32 $0x780;
	[sflag:s10] =	ssyncadd.s32 $0xFFFFD800  }
0x10c: {  	[spmem:s2] =	stream.indirect.scatter.add.f32 [tilespmem:s8], [sflag:$0x5], $0x80, s28, s1, $0xb8;
	[tilespmem:$0x1C000] =	vst v63  }
0x10d: {  	_ =	swait.ge [sflag:s26], $0x2800  }
0x10e: {  	[sflag:s26] =	ssyncset.done $0x0  }
0x10f: {  	[sflag:s26] =	ssyncadd.s32 $0xFFFFD800  }
0x110: {  	v2 =	vld [tilespmem:$0x780];
	_ =	sdelay $0x7  }
0x111: {  	[tilespmem:v2+s9+$0x0] =	vst.idx.add.f32.msk $0xffff, v1  }
0x112: {  	v2 =	vld [tilespmem:$0x790];
	_ =	sdelay $0x7  }
0x113: {  	[tilespmem:v2+s9+$0x0] =	vst.idx.add.f32.msk $0xffff, v1  }
0x114: {  	v2 =	vld [tilespmem:$0x7A0];
	_ =	sdelay $0x7  }
0x115: {  	[tilespmem:v2+s9+$0x0] =	vst.idx.add.f32.msk $0xffff, v1  }
0x116: {  	v2 =	vld [tilespmem:$0x7B0];
	_ =	sdelay $0x7  }
0x117: {  	[tilespmem:v2+s9+$0x0] =	vst.idx.add.f32.msk $0xffff, v1  }
0x118: {  	v2 =	vld [tilespmem:$0x7C0];
	_ =	sdelay $0x7  }
0x119: {  	[tilespmem:v2+s9+$0x0] =	vst.idx.add.f32.msk $0xffff, v1  }
.LBB2_8:
0x11a: {  	p1 =	seq.s32 s21, $0xE  }
0x11b: {  	p2 =	slt.s32 @!p1 s23, $0x1F1  }
0x11c: {  	_ =	swait.ge [sflag:s12], $0x400;
	p2 =	por !p2, p1  }
0x11d: {  	[sflag:s12] =	ssyncset.done $0x0;
	s23 =	simm.s32 @p2 $0x1F1  }
0x11e: {  	[sflag:s12] =	ssyncadd.s32 $0xFFFFFC00;
	s22 =	sshll.u32 @!p1 s23, $0x7  }
0x11f: {  	_ =	swait.ge [sflag:s12], $0x400;
	s22 =	sand.u32 @!p1 $0x1FFFFF80, s22  }
0x120: {  	[sflag:s12] =	ssyncset.done $0x0;
	s22 =	sadd.s32 @!p1 s5, s22  }
0x121: {  	s28 =	simm.s32 @!p1 $0x0;
	[sflag:s12] =	ssyncadd.s32 $0xFFFFFC00;
	s23 =	sadd.s32 @!p1 $0x100, s22  }
0x122: {  	[tilespmem:s28], [sflag:$0x3] =	stream.linear.gather @!p1 [hbm4b:s23+s28], $0x400, $0x38;
	[tilespmem:$0x1C000] =	vst v63  }
0x123: {  	s22 =	sadd.s32 @!p1 $0xFB00, s22;
	s23 =	simm.s32 @!p1 $0x400  }
0x124: {  	[tilespmem:s23], [sflag:$0x3] =	stream.linear.gather @!p1 [hbm4b:s22+s28], $0x400, $0x38;
	[tilespmem:$0x1C000] =	vst v63  }
0x125: {  	p1 =	sge.u32 s24, s17  }
.Ltmp7:
0x126: {  	_ = 	snop;
	(pc) =	sbr.rel @p1 .LBB2_10-.Ltmp7, $1  }
0x127: {  	_ =	sdelay $0x3  }
0x128: {  	[tilespmem:s25], [sflag:$0x1] =	stream.indirect.gather [hbm4b:s0+s1], $0x80, s30, s1, $0xb8;
	[tilespmem:$0x1C000] =	vst v63  }
0x129: {  	_ =	swait.ge [sflag:s3], $0x2800  }
0x12a: {  	[sflag:s3] =	ssyncset.done $0x0  }
0x12b: {  	s22 =	simm.s32 $0x880;
	[sflag:s3] =	ssyncadd.s32 $0xFFFFD800  }
0x12c: {  	[tilespmem:s8], [sflag:$0x2] =	stream.indirect.gather [hbm4b:s0+s1], $0x80, s22, s1, $0xb8;
	[tilespmem:$0x1C000] =	vst v63  }
0x12d: {  	_ = 	snop  }
0x12e: {  	[spmem:s2] =	stream.indirect.scatter.add.f32 [tilespmem:s25], [sflag:$0x5], $0x80, s31, s1, $0xb8;
	[tilespmem:$0x1C000] =	vst v63  }
0x12f: {  	_ =	swait.ge [sflag:s26], $0x2800  }
0x130: {  	[sflag:s26] =	ssyncset.done $0x0  }
0x131: {  	[sflag:s26] =	ssyncadd.s32 $0xFFFFD800  }
0x132: {  	v2 =	vld [tilespmem:$0xC00];
	_ =	sdelay $0x7  }
0x133: {  	[tilespmem:v2+s9+$0x0] =	vst.idx.add.f32.msk $0xffff, v1  }
0x134: {  	v2 =	vld [tilespmem:$0xC10];
	_ =	sdelay $0x7  }
0x135: {  	[tilespmem:v2+s9+$0x0] =	vst.idx.add.f32.msk $0xffff, v1  }
0x136: {  	v2 =	vld [tilespmem:$0xC20];
	_ =	sdelay $0x7  }
0x137: {  	[tilespmem:v2+s9+$0x0] =	vst.idx.add.f32.msk $0xffff, v1  }
0x138: {  	v2 =	vld [tilespmem:$0xC30];
	_ =	sdelay $0x7  }
0x139: {  	[tilespmem:v2+s9+$0x0] =	vst.idx.add.f32.msk $0xffff, v1  }
0x13a: {  	v2 =	vld [tilespmem:$0xC40];
	_ =	sdelay $0x7  }
0x13b: {  	[tilespmem:v2+s9+$0x0] =	vst.idx.add.f32.msk $0xffff, v1  }
0x13c: {  	_ =	swait.ge [sflag:s10], $0x2800  }
0x13d: {  	[sflag:s10] =	ssyncset.done $0x0  }
0x13e: {  	s23 =	simm.s32 $0x900;
	[sflag:s10] =	ssyncadd.s32 $0xFFFFD800  }
0x13f: {  	[tilespmem:s25], [sflag:$0x1] =	stream.indirect.gather [hbm4b:s0+s1], $0x80, s23, s1, $0xb8;
	[tilespmem:$0x1C000] =	vst v63  }
0x140: {  	s24 =	simm.s32 $0xC80  }
0x141: {  	[spmem:s2] =	stream.indirect.scatter.add.f32 [tilespmem:s8], [sflag:$0x5], $0x80, s24, s1, $0xb8;
	[tilespmem:$0x1C000] =	vst v63  }
0x142: {  	_ =	swait.ge [sflag:s26], $0x2800  }
0x143: {  	[sflag:s26] =	ssyncset.done $0x0  }
0x144: {  	[sflag:s26] =	ssyncadd.s32 $0xFFFFD800  }
0x145: {  	v2 =	vld [tilespmem:$0xC80];
	_ =	sdelay $0x7  }
0x146: {  	[tilespmem:v2+s9+$0x0] =	vst.idx.add.f32.msk $0xffff, v1  }
0x147: {  	v2 =	vld [tilespmem:$0xC90];
	_ =	sdelay $0x7  }
0x148: {  	[tilespmem:v2+s9+$0x0] =	vst.idx.add.f32.msk $0xffff, v1  }
0x149: {  	v2 =	vld [tilespmem:$0xCA0];
	_ =	sdelay $0x7  }
0x14a: {  	[tilespmem:v2+s9+$0x0] =	vst.idx.add.f32.msk $0xffff, v1  }
0x14b: {  	v2 =	vld [tilespmem:$0xCB0];
	_ =	sdelay $0x7  }
0x14c: {  	[tilespmem:v2+s9+$0x0] =	vst.idx.add.f32.msk $0xffff, v1  }
0x14d: {  	v2 =	vld [tilespmem:$0xCC0];
	_ =	sdelay $0x7  }
0x14e: {  	[tilespmem:v2+s9+$0x0] =	vst.idx.add.f32.msk $0xffff, v1  }
0x14f: {  	_ =	swait.ge [sflag:s3], $0x2800  }
0x150: {  	[sflag:s3] =	ssyncset.done $0x0  }
0x151: {  	s28 =	simm.s32 $0x980;
	[sflag:s3] =	ssyncadd.s32 $0xFFFFD800  }
0x152: {  	[tilespmem:s8], [sflag:$0x2] =	stream.indirect.gather [hbm4b:s0+s1], $0x80, s28, s1, $0xb8;
	[tilespmem:$0x1C000] =	vst v63  }
0x153: {  	s23 =	simm.s32 $0xD00  }
0x154: {  	[spmem:s2] =	stream.indirect.scatter.add.f32 [tilespmem:s25], [sflag:$0x5], $0x80, s23, s1, $0xb8;
	[tilespmem:$0x1C000] =	vst v63  }
0x155: {  	_ =	swait.ge [sflag:s26], $0x2800  }
0x156: {  	[sflag:s26] =	ssyncset.done $0x0  }
0x157: {  	[sflag:s26] =	ssyncadd.s32 $0xFFFFD800  }
0x158: {  	v2 =	vld [tilespmem:$0xD00];
	_ =	sdelay $0x7  }
0x159: {  	[tilespmem:v2+s9+$0x0] =	vst.idx.add.f32.msk $0xffff, v1  }
0x15a: {  	v2 =	vld [tilespmem:$0xD10];
	_ =	sdelay $0x7  }
0x15b: {  	[tilespmem:v2+s9+$0x0] =	vst.idx.add.f32.msk $0xffff, v1  }
0x15c: {  	v2 =	vld [tilespmem:$0xD20];
	_ =	sdelay $0x7  }
0x15d: {  	[tilespmem:v2+s9+$0x0] =	vst.idx.add.f32.msk $0xffff, v1  }
0x15e: {  	v2 =	vld [tilespmem:$0xD30];
	_ =	sdelay $0x7  }
0x15f: {  	[tilespmem:v2+s9+$0x0] =	vst.idx.add.f32.msk $0xffff, v1  }
0x160: {  	v2 =	vld [tilespmem:$0xD40];
	_ =	sdelay $0x7  }
0x161: {  	[tilespmem:v2+s9+$0x0] =	vst.idx.add.f32.msk $0xffff, v1  }
0x162: {  	_ =	swait.ge [sflag:s10], $0x2800  }
0x163: {  	[sflag:s10] =	ssyncset.done $0x0  }
0x164: {  	s24 =	simm.s32 $0xA00;
	[sflag:s10] =	ssyncadd.s32 $0xFFFFD800  }
0x165: {  	[tilespmem:s25], [sflag:$0x1] =	stream.indirect.gather [hbm4b:s0+s1], $0x80, s24, s1, $0xb8;
	[tilespmem:$0x1C000] =	vst v63  }
0x166: {  	s28 =	simm.s32 $0xD80  }
0x167: {  	[spmem:s2] =	stream.indirect.scatter.add.f32 [tilespmem:s8], [sflag:$0x5], $0x80, s28, s1, $0xb8;
	[tilespmem:$0x1C000] =	vst v63  }
0x168: {  	_ =	swait.ge [sflag:s26], $0x2800  }
0x169: {  	[sflag:s26] =	ssyncset.done $0x0  }
0x16a: {  	[sflag:s26] =	ssyncadd.s32 $0xFFFFD800  }
0x16b: {  	v2 =	vld [tilespmem:$0xD80];
	_ =	sdelay $0x7  }
0x16c: {  	[tilespmem:v2+s9+$0x0] =	vst.idx.add.f32.msk $0xffff, v1  }
0x16d: {  	v2 =	vld [tilespmem:$0xD90];
	_ =	sdelay $0x7  }
0x16e: {  	[tilespmem:v2+s9+$0x0] =	vst.idx.add.f32.msk $0xffff, v1  }
0x16f: {  	v2 =	vld [tilespmem:$0xDA0];
	_ =	sdelay $0x7  }
0x170: {  	[tilespmem:v2+s9+$0x0] =	vst.idx.add.f32.msk $0xffff, v1  }
0x171: {  	v2 =	vld [tilespmem:$0xDB0];
	_ =	sdelay $0x7  }
0x172: {  	[tilespmem:v2+s9+$0x0] =	vst.idx.add.f32.msk $0xffff, v1  }
0x173: {  	v2 =	vld [tilespmem:$0xDC0];
	_ =	sdelay $0x7  }
0x174: {  	[tilespmem:v2+s9+$0x0] =	vst.idx.add.f32.msk $0xffff, v1  }
0x175: {  	_ =	swait.ge [sflag:s3], $0x2800  }
0x176: {  	[sflag:s3] =	ssyncset.done $0x0  }
0x177: {  	[sflag:s3] =	ssyncadd.s32 $0xFFFFD800  }
0x178: {  	[tilespmem:s8], [sflag:$0x2] =	stream.indirect.gather [hbm4b:s0+s1], $0x80, s14, s1, $0xb8;
	[tilespmem:$0x1C000] =	vst v63  }
0x179: {  	_ = 	snop  }
0x17a: {  	[spmem:s2] =	stream.indirect.scatter.add.f32 [tilespmem:s25], [sflag:$0x5], $0x80, s6, s1, $0xb8;
	[tilespmem:$0x1C000] =	vst v63  }
0x17b: {  	_ =	swait.ge [sflag:s26], $0x2800  }
0x17c: {  	[sflag:s26] =	ssyncset.done $0x0  }
0x17d: {  	[sflag:s26] =	ssyncadd.s32 $0xFFFFD800  }
0x17e: {  	v2 =	vld [tilespmem:$0xE00];
	_ =	sdelay $0x7  }
0x17f: {  	[tilespmem:v2+s9+$0x0] =	vst.idx.add.f32.msk $0xffff, v1  }
0x180: {  	v2 =	vld [tilespmem:$0xE10];
	_ =	sdelay $0x7  }
0x181: {  	[tilespmem:v2+s9+$0x0] =	vst.idx.add.f32.msk $0xffff, v1  }
0x182: {  	v2 =	vld [tilespmem:$0xE20];
	_ =	sdelay $0x7  }
0x183: {  	[tilespmem:v2+s9+$0x0] =	vst.idx.add.f32.msk $0xffff, v1  }
0x184: {  	v2 =	vld [tilespmem:$0xE30];
	_ =	sdelay $0x7  }
0x185: {  	[tilespmem:v2+s9+$0x0] =	vst.idx.add.f32.msk $0xffff, v1  }
0x186: {  	v2 =	vld [tilespmem:$0xE40];
	_ =	sdelay $0x7  }
0x187: {  	[tilespmem:v2+s9+$0x0] =	vst.idx.add.f32.msk $0xffff, v1  }
0x188: {  	_ =	swait.ge [sflag:s10], $0x2800  }
0x189: {  	[sflag:s10] =	ssyncset.done $0x0  }
0x18a: {  	[sflag:s10] =	ssyncadd.s32 $0xFFFFD800  }
0x18b: {  	[tilespmem:s25], [sflag:$0x1] =	stream.indirect.gather [hbm4b:s0+s1], $0x80, s7, s1, $0xb8;
	[tilespmem:$0x1C000] =	vst v63  }
0x18c: {  	_ = 	snop  }
0x18d: {  	[spmem:s2] =	stream.indirect.scatter.add.f32 [tilespmem:s8], [sflag:$0x5], $0x80, s11, s1, $0xb8;
	[tilespmem:$0x1C000] =	vst v63  }
0x18e: {  	_ =	swait.ge [sflag:s26], $0x2800  }
0x18f: {  	[sflag:s26] =	ssyncset.done $0x0  }
0x190: {  	[sflag:s26] =	ssyncadd.s32 $0xFFFFD800  }
0x191: {  	v2 =	vld [tilespmem:$0xE80];
	_ =	sdelay $0x7  }
0x192: {  	[tilespmem:v2+s9+$0x0] =	vst.idx.add.f32.msk $0xffff, v1  }
0x193: {  	v2 =	vld [tilespmem:$0xE90];
	_ =	sdelay $0x7  }
0x194: {  	[tilespmem:v2+s9+$0x0] =	vst.idx.add.f32.msk $0xffff, v1  }
0x195: {  	v2 =	vld [tilespmem:$0xEA0];
	_ =	sdelay $0x7  }
0x196: {  	[tilespmem:v2+s9+$0x0] =	vst.idx.add.f32.msk $0xffff, v1  }
0x197: {  	v2 =	vld [tilespmem:$0xEB0];
	_ =	sdelay $0x7  }
0x198: {  	[tilespmem:v2+s9+$0x0] =	vst.idx.add.f32.msk $0xffff, v1  }
0x199: {  	v2 =	vld [tilespmem:$0xEC0];
	_ =	sdelay $0x7  }
0x19a: {  	[tilespmem:v2+s9+$0x0] =	vst.idx.add.f32.msk $0xffff, v1  }
0x19b: {  	_ =	swait.ge [sflag:s3], $0x2800  }
0x19c: {  	[sflag:s3] =	ssyncset.done $0x0  }
0x19d: {  	[sflag:s3] =	ssyncadd.s32 $0xFFFFD800  }
0x19e: {  	[tilespmem:s8], [sflag:$0x2] =	stream.indirect.gather [hbm4b:s0+s1], $0x80, s13, s1, $0xb8;
	[tilespmem:$0x1C000] =	vst v63  }
0x19f: {  	_ = 	snop  }
0x1a0: {  	[spmem:s2] =	stream.indirect.scatter.add.f32 [tilespmem:s25], [sflag:$0x5], $0x80, s18, s1, $0xb8;
	[tilespmem:$0x1C000] =	vst v63  }
0x1a1: {  	_ =	swait.ge [sflag:s26], $0x2800  }
0x1a2: {  	[sflag:s26] =	ssyncset.done $0x0  }
0x1a3: {  	[sflag:s26] =	ssyncadd.s32 $0xFFFFD800  }
0x1a4: {  	v2 =	vld [tilespmem:$0xF00];
	_ =	sdelay $0x7  }
0x1a5: {  	[tilespmem:v2+s9+$0x0] =	vst.idx.add.f32.msk $0xffff, v1  }
0x1a6: {  	v2 =	vld [tilespmem:$0xF10];
	_ =	sdelay $0x7  }
0x1a7: {  	[tilespmem:v2+s9+$0x0] =	vst.idx.add.f32.msk $0xffff, v1  }
0x1a8: {  	v2 =	vld [tilespmem:$0xF20];
	_ =	sdelay $0x7  }
0x1a9: {  	[tilespmem:v2+s9+$0x0] =	vst.idx.add.f32.msk $0xffff, v1  }
0x1aa: {  	v2 =	vld [tilespmem:$0xF30];
	_ =	sdelay $0x7  }
0x1ab: {  	[tilespmem:v2+s9+$0x0] =	vst.idx.add.f32.msk $0xffff, v1  }
0x1ac: {  	v2 =	vld [tilespmem:$0xF40];
	_ =	sdelay $0x7  }
0x1ad: {  	[tilespmem:v2+s9+$0x0] =	vst.idx.add.f32.msk $0xffff, v1  }
0x1ae: {  	_ =	swait.ge [sflag:s10], $0x2800  }
0x1af: {  	[sflag:s10] =	ssyncset.done $0x0  }
0x1b0: {  	[sflag:s10] =	ssyncadd.s32 $0xFFFFD800  }
0x1b1: {  	[spmem:s2] =	stream.indirect.scatter.add.f32 [tilespmem:s8], [sflag:$0x5], $0x80, s20, s1, $0xb8;
	[tilespmem:$0x1C000] =	vst v63  }
0x1b2: {  	_ =	swait.ge [sflag:s26], $0x2800  }
0x1b3: {  	[sflag:s26] =	ssyncset.done $0x0  }
0x1b4: {  	[sflag:s26] =	ssyncadd.s32 $0xFFFFD800  }
0x1b5: {  	v2 =	vld [tilespmem:$0xF80];
	_ =	sdelay $0x7  }
0x1b6: {  	[tilespmem:v2+s9+$0x0] =	vst.idx.add.f32.msk $0xffff, v1  }
0x1b7: {  	v2 =	vld [tilespmem:$0xF90];
	_ =	sdelay $0x7  }
0x1b8: {  	[tilespmem:v2+s9+$0x0] =	vst.idx.add.f32.msk $0xffff, v1  }
0x1b9: {  	v2 =	vld [tilespmem:$0xFA0];
	_ =	sdelay $0x7  }
0x1ba: {  	[tilespmem:v2+s9+$0x0] =	vst.idx.add.f32.msk $0xffff, v1  }
0x1bb: {  	v2 =	vld [tilespmem:$0xFB0];
	_ =	sdelay $0x7  }
0x1bc: {  	[tilespmem:v2+s9+$0x0] =	vst.idx.add.f32.msk $0xffff, v1  }
0x1bd: {  	v2 =	vld [tilespmem:$0xFC0];
	_ =	sdelay $0x3  }
.Ltmp8:
0x1be: {  	_ = 	snop;
	(pc) =	sbr.rel .LBB2_10-.Ltmp8, $2  }
0x1bf: {  	_ =	sdelay $0x2  }
0x1c0: {  	[tilespmem:v2+s9+$0x0] =	vst.idx.add.f32.msk $0xffff, v1  }
.LBB2_12:
0x1c1: {  	_ =	sfence.sel $0x180000  }
0x1c2: {  	[bflag:$0x0] =	sbarrier.arrive $0xFFFF  }
0x1c3: {  	_ =	strace $0x90000047  }
0x1c4: {  	[bflag:$0x2] =	sbarrier.arrive $0xFFFF  }
0x1c5: {  	s0 =	rddreg [dreg:$0x3]  }
0x1c6: {  	s0 =	sadd.s32 @!p0 $0x100000, s0  }
0x1c7: {  	[sflag:s0] =	ssyncadd.tile.s32 @!p0 $0x1;
	_ =	shalt  }
.Lfunc_end2:
_tile_overlayer_lowered:
.L_overlay_start_2:
0x1c8: {  	(tag) =	ssettag $0x2  }
0x1c9: {  	s0 =	rddreg [dreg:$0x0];
	s2 =	stileid.u32  }
0x1ca: {  	s1 =	rddreg [dreg:$0x1];
	p0 =	sne.s32 s2, $0x0  }
0x1cb: {  	s3 =	rddreg [dreg:$0x2];
	[bflag:$0x3] =	sbarrier.arrive $0xFFFF;
	s2 =	simm.s32 @!p0 $0x1C05  }
0x1cc: {  	[timem:s3], [sflag:s2] =	dma.local @!p0 [hbm:s0], s1  }
0x1cd: {  	s0 =	simm.s32 @!p0 $0x5  }
0x1ce: {  	_ =	swait.ge @!p0 [sflag:s0], s1  }
0x1cf: {  	s1 =	ssub.s32 @!p0 $0x0, s1;
	[sflag:s0] =	ssyncset.done @!p0 $0x0  }
0x1d0: {  	[sflag:s0] =	ssyncadd.s32 @!p0 s1  }
0x1d1: {  	[bflag:$0x3] =	sbarrier.arrive $0xFFFF  }
0x1d2: {  	_ =	shalt  }

</sc_bundles>
